<compile_context>
chip_gen: v7x
topology: tpu7x:2x2x1
jax: 0.10.2.dev20260603
libtpu: 0.0.44.dev20260713+nightly
codegen_flags: <defaults>
</compile_context>

<pallas_src>
import functools

import jax
import jax.numpy as jnp
from jax import lax
from jax.experimental import pallas as pl
from jax.experimental.pallas import tpu as pltpu
from jax.experimental.pallas import tpu_sc as plsc

B = 2048
A = 64
D = 6
R = 16
S = 8
L = 16
NC, NS = 2, 16
NW = NC * NS
NB = B // NW
EW = A * D
EV = EW // L
RW = R * S


def _find_ring_bonds_body(edges_hbm, rings_hbm, out_hbm,
                          e_v, r_v, o_v, ai_v, rb_v, ta_v, tb_v, sem):
    wid = lax.axis_index("c") * NS + lax.axis_index("s")
    base = wid * NB
    edma = pltpu.async_copy(edges_hbm.at[pl.ds(base, NB)], e_v, sem)
    with jax.named_scope("dma_in"):
        pltpu.sync_copy(rings_hbm.at[pl.ds(base, NB)], r_v)

    lane = lax.iota(jnp.int32, L)
    lo_mask = lane < S
    zeros = jnp.zeros((L,), jnp.int32)
    nib = jnp.full((L,), 0x11111111, jnp.int32)

    for v in range(EV):
        ai_v[pl.ds(v * L, L)] = (lane + v * L) // D

    def build_bitmaps(b, ta, tb, rb):
        for i in range(A // L):
            ta[pl.ds(i * L, L)] = zeros
            tb[pl.ds(i * L, L)] = zeros
        for r2 in range(0, R, 2):
            idx = r_v[b, pl.ds(r2 * S, L)]
            rr = r2 % 8
            val = jnp.where(lo_mask, 1 << (4 * rr), 1 << (4 * (rr + 1)))
            tab = ta if r2 < 8 else tb
            plsc.addupdate_scatter(tab, [idx], val)
        for i in range(A // L):
            va = ta[pl.ds(i * L, L)]
            vb = tb[pl.ds(i * L, L)]
            va = va | lax.shift_right_logical(va, 1)
            va = (va | lax.shift_right_logical(va, 2)) & nib
            vb = vb | lax.shift_right_logical(vb, 1)
            vb = (vb | lax.shift_right_logical(vb, 2)) & nib
            rb[pl.ds(i * L, L)] = va | (vb << 1)

    def bond_vals(b, rb):
        vals = []
        for v in range(EV):
            nbr_idx = e_v[b, pl.ds(v * L, L)]
            self_idx = ai_v[pl.ds(v * L, L)]
            nbr_bits = plsc.load_gather(rb, [nbr_idx])
            self_bits = plsc.load_gather(rb, [self_idx])
            vals.append(jnp.where((nbr_bits & self_bits) != 0,
                                  jnp.float32(1.0), jnp.float32(0.0)))
        return vals

    def item(b, carry):
        build_bitmaps(b, ta_v, tb_v, rb_v)
        vals = bond_vals(b, rb_v)
        for v in range(EV):
            o_v[b, pl.ds(v * L, L)] = vals[v]
        return carry

    edma.wait()
    with jax.named_scope("compute"):
        lax.fori_loop(0, NB, item, 0)
    with jax.named_scope("dma_out"):
        pltpu.sync_copy(o_v, out_hbm.at[pl.ds(base, NB)])


@jax.jit
def kernel(edges, rings):
    edges_i = edges.astype(jnp.int32).reshape(B, EW)
    rings_f = rings.reshape(B, RW)

    mesh = plsc.VectorSubcoreMesh(core_axis_name="c", subcore_axis_name="s",
                                  num_cores=NC, num_subcores=NS)
    run = pl.kernel(
        _find_ring_bonds_body,
        out_type=jax.ShapeDtypeStruct((B, EW), jnp.float32),
        mesh=mesh,
        scratch_types=[
            pltpu.VMEM((NB, EW), jnp.int32),
            pltpu.VMEM((NB, RW), jnp.int32),
            pltpu.VMEM((NB, EW), jnp.float32),
            pltpu.VMEM((EW,), jnp.int32),
            pltpu.VMEM((A,), jnp.int32),
            pltpu.VMEM((A,), jnp.int32),
            pltpu.VMEM((A,), jnp.int32),
            pltpu.SemaphoreType.DMA,
        ],
        compiler_params=pltpu.CompilerParams(needs_layout_passes=False,
                                             disable_bounds_checks=True),
    )
    out = run(edges_i, rings_f)
    return out.reshape(B, A, D, 1)

# --- scband reference (transcript-rebuilt; emitter-appended) ---
"""Pipeline reference for scband-find-ring-bonds-64682207477991 (READ-ONLY COPY).

The authoritative reference and input builder live on the scoring server;
editing this copy changes nothing except your own understanding.
"""

import jax, jax.numpy as jnp
import numpy as np

BATCH = 2048
MAX_ATOMS = 64
MAX_DEGREE = 6
MAX_RINGS = 16
RING_SIZE = 8


def setup_inputs(seed: int = 0) -> dict:
    key = jax.random.key(seed)
    k1, k2 = jax.random.split(key)
    # edges arrive as float (the layer casts to int32 itself); values in [0, MAX_ATOMS)
    edges = jax.random.randint(k1, (BATCH, MAX_ATOMS, MAX_DEGREE), 0, MAX_ATOMS).astype(jnp.float32)
    rings = jax.random.randint(k2, (BATCH, MAX_RINGS, RING_SIZE), 0, MAX_ATOMS).astype(jnp.int32)
    return {"edges": edges, "rings": rings}


def reference(edges, rings):
    # Faithful (vectorized) translation of Find_Ring_Bonds.call.
    e = edges.astype(jnp.int32)  # tf.cast(edges, 'int32')
    B, A, D = e.shape
    atom_ids = jnp.arange(A, dtype=jnp.int32)
    # atom_idx_in_ring for every atom_idx: any over ring members -> [B, A, R]
    atom_in_ring = jnp.any(rings[:, None, :, :] == atom_ids[None, :, None, None], axis=-1).astype(jnp.int32)
    # NN_atom_in_ring for every (atom_idx, degree_idx): edges[:, a:a+1, d:d+1] vs rings -> [B, A, D, R]
    nn_in_ring = jnp.any(rings[:, None, None, :, :] == e[:, :, :, None, None], axis=-1).astype(jnp.int32)
    # NN_atom_not_null: neighbor slot != -1 -> [B, A, D]
    nn_not_null = (e != -1).astype(jnp.int32)
    # valid_ring_bond = reduce_max over rings of (nn_in_ring * atom_in_ring) * nn_not_null
    valid = jnp.max(nn_in_ring * atom_in_ring[:, :, None, :], axis=-1) * nn_not_null  # [B, A, D]
    # tensor_scatter_add into zeros_like(edges) at (batch, atom_idx, degree_idx)
    bonds = jnp.zeros((B, A, D), dtype=jnp.int32)
    b_idx, a_idx, d_idx = jnp.meshgrid(jnp.arange(B), jnp.arange(A), jnp.arange(D), indexing="ij")
    bonds = bonds.at[b_idx, a_idx, d_idx].add(valid)
    return bonds.reshape(B, A, D, 1).astype(jnp.float32)


if False:  # reference __main__ guard neutralized (emitter)
    out = reference(**setup_inputs())
    print(out.shape, out.dtype)

if __name__ == "__main__":
    import jax
    _d = setup_inputs()
    print(jax.jit(kernel)(*tuple(_d.values())))

</pallas_src>

<mosaic_0001>
#map = affine_map<(d0, d1) -> (0, 0)>
module attributes {stable_mosaic.version = 14 : i64} {
  func.func @_find_ring_bonds_body(%arg0: i32, %arg1: i32, %arg2: memref<2048x384xi32, #tpu.memory_space<hbm>>, %arg3: memref<2048x128xi32, #tpu.memory_space<hbm>>, %arg4: memref<2048x384xf32, #tpu.memory_space<hbm>>, %arg5: memref<64x384xi32, #tpu.memory_space<vmem>>, %arg6: memref<64x128xi32, #tpu.memory_space<vmem>>, %arg7: memref<64x384xf32, #tpu.memory_space<vmem>>, %arg8: memref<384xi32, #tpu.memory_space<vmem>>, %arg9: memref<64xi32, #tpu.memory_space<vmem>>, %arg10: memref<64xi32, #tpu.memory_space<vmem>>, %arg11: memref<64xi32, #tpu.memory_space<vmem>>, %arg12: memref<!tpu.dma_semaphore, #tpu.memory_space<semaphore_mem>>) attributes {dimension_semantics = [#tpu.dimension_semantics<core_parallel>, #tpu.dimension_semantics<subcore_parallel>], iteration_bounds = array<i64: 2, 16>, scalar_prefetch = 0 : i64, scratch_operands = 8 : i64, tpu.core_type = #tpu.core_type<sc_vector_subcore>, window_params = [{transform_indices = #map}, {transform_indices = #map}, {transform_indices = #map}]} {
    %mul3A = arith.constant 16 : i32
    %mul3A_0 = arith.muli %arg0, %mul3A : i32
    %add3A = arith.addi %mul3A_0, %arg1 : i32
    %mul3A_1 = arith.constant 64 : i32
    %mul3A_2 = arith.muli %add3A, %mul3A_1 : i32
    %dma_start3A = arith.constant 0 : i32
    %dma_start3A_3 = tpu.memref_slice %arg2[%mul3A_2, %dma_start3A] : memref<2048x384xi32, #tpu.memory_space<hbm>> -> memref<64x384xi32, #tpu.memory_space<hbm>>
    %dma_start3A_4 = arith.constant 0 : i32
    %dma_start3A_5 = tpu.memref_slice %arg2[%mul3A_2, %dma_start3A_4] : memref<2048x384xi32, #tpu.memory_space<hbm>> -> memref<64x384xi32, #tpu.memory_space<hbm>>
    tpu.enqueue_dma source(%dma_start3A_5 : memref<64x384xi32, #tpu.memory_space<hbm>>) target(%arg5 : memref<64x384xi32, #tpu.memory_space<vmem>>) target_semaphore(%arg12 : memref<!tpu.dma_semaphore, #tpu.memory_space<semaphore_mem>>)
    "tpu.trace_start"() <{level = 10 : i32, message = "dma_in"}> : () -> ()
    "tpu.region"() ({
      %run_scoped3A = tpu.sem_alloc : memref<!tpu.dma_semaphore, #tpu.memory_space<semaphore_mem>>
      %dma_start3A_874 = arith.constant 0 : i32
      %dma_start3A_875 = tpu.memref_slice %arg3[%mul3A_2, %dma_start3A_874] : memref<2048x128xi32, #tpu.memory_space<hbm>> -> memref<64x128xi32, #tpu.memory_space<hbm>>
      %dma_start3A_876 = arith.constant 0 : i32
      %dma_start3A_877 = tpu.memref_slice %arg3[%mul3A_2, %dma_start3A_876] : memref<2048x128xi32, #tpu.memory_space<hbm>> -> memref<64x128xi32, #tpu.memory_space<hbm>>
      tpu.enqueue_dma source(%dma_start3A_877 : memref<64x128xi32, #tpu.memory_space<hbm>>) target(%arg6 : memref<64x128xi32, #tpu.memory_space<vmem>>) target_semaphore(%run_scoped3A : memref<!tpu.dma_semaphore, #tpu.memory_space<semaphore_mem>>)
      %dma_wait3A_878 = arith.constant 0 : i32
      %dma_wait3A_879 = tpu.memref_slice %arg3[%mul3A_2, %dma_wait3A_878] : memref<2048x128xi32, #tpu.memory_space<hbm>> -> memref<64x128xi32, #tpu.memory_space<hbm>>
      %dma_wait3A_880 = arith.constant 0 : i32
      %dma_wait3A_881 = tpu.memref_slice %arg3[%mul3A_2, %dma_wait3A_880] : memref<2048x128xi32, #tpu.memory_space<hbm>> -> memref<64x128xi32, #tpu.memory_space<hbm>>
      tpu.wait_dma2 semaphore(%run_scoped3A : memref<!tpu.dma_semaphore, #tpu.memory_space<semaphore_mem>>) src(%dma_wait3A_881 : memref<64x128xi32, #tpu.memory_space<hbm>>) dst(%arg6 : memref<64x128xi32, #tpu.memory_space<vmem>>)
      tpu.yield
    }) : () -> ()
    "tpu.trace_stop"() : () -> ()
    %iota3A = tpu.iota {dimensions = array<i32: 0>} : vector<16xi32>
    %lt3A = arith.constant 8 : i32
    %lt3A_6 = vector.broadcast %lt3A : i32 to vector<16xi32>
    %lt3A_7 = arith.cmpi slt, %iota3A, %lt3A_6 : vector<16xi32>
    %broadcast_in_dim3A = arith.constant 0 : i32
    %broadcast_in_dim3A_8 = vector.broadcast %broadcast_in_dim3A : i32 to vector<16xi32>
    %broadcast_in_dim3A_9 = arith.constant 286331153 : i32
    %broadcast_in_dim3A_10 = vector.broadcast %broadcast_in_dim3A_9 : i32 to vector<16xi32>
    %add3A_11 = arith.constant 0 : i32
    %add3A_12 = vector.broadcast %add3A_11 : i32 to vector<16xi32>
    %add3A_13 = arith.addi %iota3A, %add3A_12 : vector<16xi32>
    %jit3A = arith.constant 6 : i32
    %div3A = vector.broadcast %jit3A : i32 to vector<16xi32>
    %div3A_14 = arith.divsi %add3A_13, %div3A : vector<16xi32>
    %sign3A = arith.constant 0 : i32
    %sign3A_15 = vector.broadcast %sign3A : i32 to vector<16xi32>
    %sign3A_16 = arith.cmpi sgt, %add3A_13, %sign3A_15 : vector<16xi32>
    %sign3A_17 = arith.extui %sign3A_16 : vector<16xi1> to vector<16xi32>
    %sign3A_18 = arith.constant 0 : i32
    %sign3A_19 = vector.broadcast %sign3A_18 : i32 to vector<16xi32>
    %sign3A_20 = arith.cmpi slt, %add3A_13, %sign3A_19 : vector<16xi32>
    %sign3A_21 = arith.extui %sign3A_20 : vector<16xi1> to vector<16xi32>
    %sign3A_22 = arith.subi %sign3A_17, %sign3A_21 : vector<16xi32>
    %sign3A_23 = arith.constant 0 : i32
    %sign3A_24 = arith.cmpi sgt, %jit3A, %sign3A_23 : i32
    %sign3A_25 = arith.extui %sign3A_24 : i1 to i32
    %sign3A_26 = arith.constant 0 : i32
    %sign3A_27 = arith.cmpi slt, %jit3A, %sign3A_26 : i32
    %sign3A_28 = arith.extui %sign3A_27 : i1 to i32
    %sign3A_29 = arith.subi %sign3A_25, %sign3A_28 : i32
    %ne3A = vector.broadcast %sign3A_29 : i32 to vector<16xi32>
    %ne3A_30 = arith.cmpi ne, %sign3A_22, %ne3A : vector<16xi32>
    %rem3A = vector.broadcast %jit3A : i32 to vector<16xi32>
    %rem3A_31 = arith.remsi %add3A_13, %rem3A : vector<16xi32>
    %ne3A_32 = arith.constant 0 : i32
    %ne3A_33 = vector.broadcast %ne3A_32 : i32 to vector<16xi32>
    %ne3A_34 = arith.cmpi ne, %rem3A_31, %ne3A_33 : vector<16xi32>
    %and3A = arith.andi %ne3A_30, %ne3A_34 : vector<16xi1>
    %sub3A = arith.constant 1 : i32
    %sub3A_35 = vector.broadcast %sub3A : i32 to vector<16xi32>
    %sub3A_36 = arith.subi %div3A_14, %sub3A_35 : vector<16xi32>
    %select_n3A = arith.select %and3A, %sub3A_36, %div3A_14 : vector<16xi1>, vector<16xi32>
    %swap3A = arith.constant 0 : index
    %swap3A_37 = tpu.vector_load %arg8[%swap3A] {strides = array<i32>} : memref<384xi32, #tpu.memory_space<vmem>>, vector<16xi32>,
    tpu.vector_store %arg8[%swap3A], %select_n3A {strides = array<i32>} : memref<384xi32, #tpu.memory_space<vmem>>, vector<16xi32>,
    %add3A_38 = arith.constant 16 : i32
    %add3A_39 = vector.broadcast %add3A_38 : i32 to vector<16xi32>
    %add3A_40 = arith.addi %iota3A, %add3A_39 : vector<16xi32>
    %jit3A_41 = arith.constant 6 : i32
    %div3A_42 = vector.broadcast %jit3A_41 : i32 to vector<16xi32>
    %div3A_43 = arith.divsi %add3A_40, %div3A_42 : vector<16xi32>
    %sign3A_44 = arith.constant 0 : i32
    %sign3A_45 = vector.broadcast %sign3A_44 : i32 to vector<16xi32>
    %sign3A_46 = arith.cmpi sgt, %add3A_40, %sign3A_45 : vector<16xi32>
    %sign3A_47 = arith.extui %sign3A_46 : vector<16xi1> to vector<16xi32>
    %sign3A_48 = arith.constant 0 : i32
    %sign3A_49 = vector.broadcast %sign3A_48 : i32 to vector<16xi32>
    %sign3A_50 = arith.cmpi slt, %add3A_40, %sign3A_49 : vector<16xi32>
    %sign3A_51 = arith.extui %sign3A_50 : vector<16xi1> to vector<16xi32>
    %sign3A_52 = arith.subi %sign3A_47, %sign3A_51 : vector<16xi32>
    %sign3A_53 = arith.constant 0 : i32
    %sign3A_54 = arith.cmpi sgt, %jit3A_41, %sign3A_53 : i32
    %sign3A_55 = arith.extui %sign3A_54 : i1 to i32
    %sign3A_56 = arith.constant 0 : i32
    %sign3A_57 = arith.cmpi slt, %jit3A_41, %sign3A_56 : i32
    %sign3A_58 = arith.extui %sign3A_57 : i1 to i32
    %sign3A_59 = arith.subi %sign3A_55, %sign3A_58 : i32
    %ne3A_60 = vector.broadcast %sign3A_59 : i32 to vector<16xi32>
    %ne3A_61 = arith.cmpi ne, %sign3A_52, %ne3A_60 : vector<16xi32>
    %rem3A_62 = vector.broadcast %jit3A_41 : i32 to vector<16xi32>
    %rem3A_63 = arith.remsi %add3A_40, %rem3A_62 : vector<16xi32>
    %ne3A_64 = arith.constant 0 : i32
    %ne3A_65 = vector.broadcast %ne3A_64 : i32 to vector<16xi32>
    %ne3A_66 = arith.cmpi ne, %rem3A_63, %ne3A_65 : vector<16xi32>
    %and3A_67 = arith.andi %ne3A_61, %ne3A_66 : vector<16xi1>
    %sub3A_68 = arith.constant 1 : i32
    %sub3A_69 = vector.broadcast %sub3A_68 : i32 to vector<16xi32>
    %sub3A_70 = arith.subi %div3A_43, %sub3A_69 : vector<16xi32>
    %select_n3A_71 = arith.select %and3A_67, %sub3A_70, %div3A_43 : vector<16xi1>, vector<16xi32>
    %swap3A_72 = arith.constant 16 : index
    %swap3A_73 = tpu.vector_load %arg8[%swap3A_72] {strides = array<i32>} : memref<384xi32, #tpu.memory_space<vmem>>, vector<16xi32>,
    tpu.vector_store %arg8[%swap3A_72], %select_n3A_71 {strides = array<i32>} : memref<384xi32, #tpu.memory_space<vmem>>, vector<16xi32>,
    %add3A_74 = arith.constant 32 : i32
    %add3A_75 = vector.broadcast %add3A_74 : i32 to vector<16xi32>
    %add3A_76 = arith.addi %iota3A, %add3A_75 : vector<16xi32>
    %jit3A_77 = arith.constant 6 : i32
    %div3A_78 = vector.broadcast %jit3A_77 : i32 to vector<16xi32>
    %div3A_79 = arith.divsi %add3A_76, %div3A_78 : vector<16xi32>
    %sign3A_80 = arith.constant 0 : i32
    %sign3A_81 = vector.broadcast %sign3A_80 : i32 to vector<16xi32>
    %sign3A_82 = arith.cmpi sgt, %add3A_76, %sign3A_81 : vector<16xi32>
    %sign3A_83 = arith.extui %sign3A_82 : vector<16xi1> to vector<16xi32>
    %sign3A_84 = arith.constant 0 : i32
    %sign3A_85 = vector.broadcast %sign3A_84 : i32 to vector<16xi32>
    %sign3A_86 = arith.cmpi slt, %add3A_76, %sign3A_85 : vector<16xi32>
    %sign3A_87 = arith.extui %sign3A_86 : vector<16xi1> to vector<16xi32>
    %sign3A_88 = arith.subi %sign3A_83, %sign3A_87 : vector<16xi32>
    %sign3A_89 = arith.constant 0 : i32
    %sign3A_90 = arith.cmpi sgt, %jit3A_77, %sign3A_89 : i32
    %sign3A_91 = arith.extui %sign3A_90 : i1 to i32
    %sign3A_92 = arith.constant 0 : i32
    %sign3A_93 = arith.cmpi slt, %jit3A_77, %sign3A_92 : i32
    %sign3A_94 = arith.extui %sign3A_93 : i1 to i32
    %sign3A_95 = arith.subi %sign3A_91, %sign3A_94 : i32
    %ne3A_96 = vector.broadcast %sign3A_95 : i32 to vector<16xi32>
    %ne3A_97 = arith.cmpi ne, %sign3A_88, %ne3A_96 : vector<16xi32>
    %rem3A_98 = vector.broadcast %jit3A_77 : i32 to vector<16xi32>
    %rem3A_99 = arith.remsi %add3A_76, %rem3A_98 : vector<16xi32>
    %ne3A_100 = arith.constant 0 : i32
    %ne3A_101 = vector.broadcast %ne3A_100 : i32 to vector<16xi32>
    %ne3A_102 = arith.cmpi ne, %rem3A_99, %ne3A_101 : vector<16xi32>
    %and3A_103 = arith.andi %ne3A_97, %ne3A_102 : vector<16xi1>
    %sub3A_104 = arith.constant 1 : i32
    %sub3A_105 = vector.broadcast %sub3A_104 : i32 to vector<16xi32>
    %sub3A_106 = arith.subi %div3A_79, %sub3A_105 : vector<16xi32>
    %select_n3A_107 = arith.select %and3A_103, %sub3A_106, %div3A_79 : vector<16xi1>, vector<16xi32>
    %swap3A_108 = arith.constant 32 : index
    %swap3A_109 = tpu.vector_load %arg8[%swap3A_108] {strides = array<i32>} : memref<384xi32, #tpu.memory_space<vmem>>, vector<16xi32>,
    tpu.vector_store %arg8[%swap3A_108], %select_n3A_107 {strides = array<i32>} : memref<384xi32, #tpu.memory_space<vmem>>, vector<16xi32>,
    %add3A_110 = arith.constant 48 : i32
    %add3A_111 = vector.broadcast %add3A_110 : i32 to vector<16xi32>
    %add3A_112 = arith.addi %iota3A, %add3A_111 : vector<16xi32>
    %jit3A_113 = arith.constant 6 : i32
    %div3A_114 = vector.broadcast %jit3A_113 : i32 to vector<16xi32>
    %div3A_115 = arith.divsi %add3A_112, %div3A_114 : vector<16xi32>
    %sign3A_116 = arith.constant 0 : i32
    %sign3A_117 = vector.broadcast %sign3A_116 : i32 to vector<16xi32>
    %sign3A_118 = arith.cmpi sgt, %add3A_112, %sign3A_117 : vector<16xi32>
    %sign3A_119 = arith.extui %sign3A_118 : vector<16xi1> to vector<16xi32>
    %sign3A_120 = arith.constant 0 : i32
    %sign3A_121 = vector.broadcast %sign3A_120 : i32 to vector<16xi32>
    %sign3A_122 = arith.cmpi slt, %add3A_112, %sign3A_121 : vector<16xi32>
    %sign3A_123 = arith.extui %sign3A_122 : vector<16xi1> to vector<16xi32>
    %sign3A_124 = arith.subi %sign3A_119, %sign3A_123 : vector<16xi32>
    %sign3A_125 = arith.constant 0 : i32
    %sign3A_126 = arith.cmpi sgt, %jit3A_113, %sign3A_125 : i32
    %sign3A_127 = arith.extui %sign3A_126 : i1 to i32
    %sign3A_128 = arith.constant 0 : i32
    %sign3A_129 = arith.cmpi slt, %jit3A_113, %sign3A_128 : i32
    %sign3A_130 = arith.extui %sign3A_129 : i1 to i32
    %sign3A_131 = arith.subi %sign3A_127, %sign3A_130 : i32
    %ne3A_132 = vector.broadcast %sign3A_131 : i32 to vector<16xi32>
    %ne3A_133 = arith.cmpi ne, %sign3A_124, %ne3A_132 : vector<16xi32>
    %rem3A_134 = vector.broadcast %jit3A_113 : i32 to vector<16xi32>
    %rem3A_135 = arith.remsi %add3A_112, %rem3A_134 : vector<16xi32>
    %ne3A_136 = arith.constant 0 : i32
    %ne3A_137 = vector.broadcast %ne3A_136 : i32 to vector<16xi32>
    %ne3A_138 = arith.cmpi ne, %rem3A_135, %ne3A_137 : vector<16xi32>
    %and3A_139 = arith.andi %ne3A_133, %ne3A_138 : vector<16xi1>
    %sub3A_140 = arith.constant 1 : i32
    %sub3A_141 = vector.broadcast %sub3A_140 : i32 to vector<16xi32>
    %sub3A_142 = arith.subi %div3A_115, %sub3A_141 : vector<16xi32>
    %select_n3A_143 = arith.select %and3A_139, %sub3A_142, %div3A_115 : vector<16xi1>, vector<16xi32>
    %swap3A_144 = arith.constant 48 : index
    %swap3A_145 = tpu.vector_load %arg8[%swap3A_144] {strides = array<i32>} : memref<384xi32, #tpu.memory_space<vmem>>, vector<16xi32>,
    tpu.vector_store %arg8[%swap3A_144], %select_n3A_143 {strides = array<i32>} : memref<384xi32, #tpu.memory_space<vmem>>, vector<16xi32>,
    %add3A_146 = arith.constant 64 : i32
    %add3A_147 = vector.broadcast %add3A_146 : i32 to vector<16xi32>
    %add3A_148 = arith.addi %iota3A, %add3A_147 : vector<16xi32>
    %jit3A_149 = arith.constant 6 : i32
    %div3A_150 = vector.broadcast %jit3A_149 : i32 to vector<16xi32>
    %div3A_151 = arith.divsi %add3A_148, %div3A_150 : vector<16xi32>
    %sign3A_152 = arith.constant 0 : i32
    %sign3A_153 = vector.broadcast %sign3A_152 : i32 to vector<16xi32>
    %sign3A_154 = arith.cmpi sgt, %add3A_148, %sign3A_153 : vector<16xi32>
    %sign3A_155 = arith.extui %sign3A_154 : vector<16xi1> to vector<16xi32>
    %sign3A_156 = arith.constant 0 : i32
    %sign3A_157 = vector.broadcast %sign3A_156 : i32 to vector<16xi32>
    %sign3A_158 = arith.cmpi slt, %add3A_148, %sign3A_157 : vector<16xi32>
    %sign3A_159 = arith.extui %sign3A_158 : vector<16xi1> to vector<16xi32>
    %sign3A_160 = arith.subi %sign3A_155, %sign3A_159 : vector<16xi32>
    %sign3A_161 = arith.constant 0 : i32
    %sign3A_162 = arith.cmpi sgt, %jit3A_149, %sign3A_161 : i32
    %sign3A_163 = arith.extui %sign3A_162 : i1 to i32
    %sign3A_164 = arith.constant 0 : i32
    %sign3A_165 = arith.cmpi slt, %jit3A_149, %sign3A_164 : i32
    %sign3A_166 = arith.extui %sign3A_165 : i1 to i32
    %sign3A_167 = arith.subi %sign3A_163, %sign3A_166 : i32
    %ne3A_168 = vector.broadcast %sign3A_167 : i32 to vector<16xi32>
    %ne3A_169 = arith.cmpi ne, %sign3A_160, %ne3A_168 : vector<16xi32>
    %rem3A_170 = vector.broadcast %jit3A_149 : i32 to vector<16xi32>
    %rem3A_171 = arith.remsi %add3A_148, %rem3A_170 : vector<16xi32>
    %ne3A_172 = arith.constant 0 : i32
    %ne3A_173 = vector.broadcast %ne3A_172 : i32 to vector<16xi32>
    %ne3A_174 = arith.cmpi ne, %rem3A_171, %ne3A_173 : vector<16xi32>
    %and3A_175 = arith.andi %ne3A_169, %ne3A_174 : vector<16xi1>
    %sub3A_176 = arith.constant 1 : i32
    %sub3A_177 = vector.broadcast %sub3A_176 : i32 to vector<16xi32>
    %sub3A_178 = arith.subi %div3A_151, %sub3A_177 : vector<16xi32>
    %select_n3A_179 = arith.select %and3A_175, %sub3A_178, %div3A_151 : vector<16xi1>, vector<16xi32>
    %swap3A_180 = arith.constant 64 : index
    %swap3A_181 = tpu.vector_load %arg8[%swap3A_180] {strides = array<i32>} : memref<384xi32, #tpu.memory_space<vmem>>, vector<16xi32>,
    tpu.vector_store %arg8[%swap3A_180], %select_n3A_179 {strides = array<i32>} : memref<384xi32, #tpu.memory_space<vmem>>, vector<16xi32>,
    %add3A_182 = arith.constant 80 : i32
    %add3A_183 = vector.broadcast %add3A_182 : i32 to vector<16xi32>
    %add3A_184 = arith.addi %iota3A, %add3A_183 : vector<16xi32>
    %jit3A_185 = arith.constant 6 : i32
    %div3A_186 = vector.broadcast %jit3A_185 : i32 to vector<16xi32>
    %div3A_187 = arith.divsi %add3A_184, %div3A_186 : vector<16xi32>
    %sign3A_188 = arith.constant 0 : i32
    %sign3A_189 = vector.broadcast %sign3A_188 : i32 to vector<16xi32>
    %sign3A_190 = arith.cmpi sgt, %add3A_184, %sign3A_189 : vector<16xi32>
    %sign3A_191 = arith.extui %sign3A_190 : vector<16xi1> to vector<16xi32>
    %sign3A_192 = arith.constant 0 : i32
    %sign3A_193 = vector.broadcast %sign3A_192 : i32 to vector<16xi32>
    %sign3A_194 = arith.cmpi slt, %add3A_184, %sign3A_193 : vector<16xi32>
    %sign3A_195 = arith.extui %sign3A_194 : vector<16xi1> to vector<16xi32>
    %sign3A_196 = arith.subi %sign3A_191, %sign3A_195 : vector<16xi32>
    %sign3A_197 = arith.constant 0 : i32
    %sign3A_198 = arith.cmpi sgt, %jit3A_185, %sign3A_197 : i32
    %sign3A_199 = arith.extui %sign3A_198 : i1 to i32
    %sign3A_200 = arith.constant 0 : i32
    %sign3A_201 = arith.cmpi slt, %jit3A_185, %sign3A_200 : i32
    %sign3A_202 = arith.extui %sign3A_201 : i1 to i32
    %sign3A_203 = arith.subi %sign3A_199, %sign3A_202 : i32
    %ne3A_204 = vector.broadcast %sign3A_203 : i32 to vector<16xi32>
    %ne3A_205 = arith.cmpi ne, %sign3A_196, %ne3A_204 : vector<16xi32>
    %rem3A_206 = vector.broadcast %jit3A_185 : i32 to vector<16xi32>
    %rem3A_207 = arith.remsi %add3A_184, %rem3A_206 : vector<16xi32>
    %ne3A_208 = arith.constant 0 : i32
    %ne3A_209 = vector.broadcast %ne3A_208 : i32 to vector<16xi32>
    %ne3A_210 = arith.cmpi ne, %rem3A_207, %ne3A_209 : vector<16xi32>
    %and3A_211 = arith.andi %ne3A_205, %ne3A_210 : vector<16xi1>
    %sub3A_212 = arith.constant 1 : i32
    %sub3A_213 = vector.broadcast %sub3A_212 : i32 to vector<16xi32>
    %sub3A_214 = arith.subi %div3A_187, %sub3A_213 : vector<16xi32>
    %select_n3A_215 = arith.select %and3A_211, %sub3A_214, %div3A_187 : vector<16xi1>, vector<16xi32>
    %swap3A_216 = arith.constant 80 : index
    %swap3A_217 = tpu.vector_load %arg8[%swap3A_216] {strides = array<i32>} : memref<384xi32, #tpu.memory_space<vmem>>, vector<16xi32>,
    tpu.vector_store %arg8[%swap3A_216], %select_n3A_215 {strides = array<i32>} : memref<384xi32, #tpu.memory_space<vmem>>, vector<16xi32>,
    %add3A_218 = arith.constant 96 : i32
    %add3A_219 = vector.broadcast %add3A_218 : i32 to vector<16xi32>
    %add3A_220 = arith.addi %iota3A, %add3A_219 : vector<16xi32>
    %jit3A_221 = arith.constant 6 : i32
    %div3A_222 = vector.broadcast %jit3A_221 : i32 to vector<16xi32>
    %div3A_223 = arith.divsi %add3A_220, %div3A_222 : vector<16xi32>
    %sign3A_224 = arith.constant 0 : i32
    %sign3A_225 = vector.broadcast %sign3A_224 : i32 to vector<16xi32>
    %sign3A_226 = arith.cmpi sgt, %add3A_220, %sign3A_225 : vector<16xi32>
    %sign3A_227 = arith.extui %sign3A_226 : vector<16xi1> to vector<16xi32>
    %sign3A_228 = arith.constant 0 : i32
    %sign3A_229 = vector.broadcast %sign3A_228 : i32 to vector<16xi32>
    %sign3A_230 = arith.cmpi slt, %add3A_220, %sign3A_229 : vector<16xi32>
    %sign3A_231 = arith.extui %sign3A_230 : vector<16xi1> to vector<16xi32>
    %sign3A_232 = arith.subi %sign3A_227, %sign3A_231 : vector<16xi32>
    %sign3A_233 = arith.constant 0 : i32
    %sign3A_234 = arith.cmpi sgt, %jit3A_221, %sign3A_233 : i32
    %sign3A_235 = arith.extui %sign3A_234 : i1 to i32
    %sign3A_236 = arith.constant 0 : i32
    %sign3A_237 = arith.cmpi slt, %jit3A_221, %sign3A_236 : i32
    %sign3A_238 = arith.extui %sign3A_237 : i1 to i32
    %sign3A_239 = arith.subi %sign3A_235, %sign3A_238 : i32
    %ne3A_240 = vector.broadcast %sign3A_239 : i32 to vector<16xi32>
    %ne3A_241 = arith.cmpi ne, %sign3A_232, %ne3A_240 : vector<16xi32>
    %rem3A_242 = vector.broadcast %jit3A_221 : i32 to vector<16xi32>
    %rem3A_243 = arith.remsi %add3A_220, %rem3A_242 : vector<16xi32>
    %ne3A_244 = arith.constant 0 : i32
    %ne3A_245 = vector.broadcast %ne3A_244 : i32 to vector<16xi32>
    %ne3A_246 = arith.cmpi ne, %rem3A_243, %ne3A_245 : vector<16xi32>
    %and3A_247 = arith.andi %ne3A_241, %ne3A_246 : vector<16xi1>
    %sub3A_248 = arith.constant 1 : i32
    %sub3A_249 = vector.broadcast %sub3A_248 : i32 to vector<16xi32>
    %sub3A_250 = arith.subi %div3A_223, %sub3A_249 : vector<16xi32>
    %select_n3A_251 = arith.select %and3A_247, %sub3A_250, %div3A_223 : vector<16xi1>, vector<16xi32>
    %swap3A_252 = arith.constant 96 : index
    %swap3A_253 = tpu.vector_load %arg8[%swap3A_252] {strides = array<i32>} : memref<384xi32, #tpu.memory_space<vmem>>, vector<16xi32>,
    tpu.vector_store %arg8[%swap3A_252], %select_n3A_251 {strides = array<i32>} : memref<384xi32, #tpu.memory_space<vmem>>, vector<16xi32>,
    %add3A_254 = arith.constant 112 : i32
    %add3A_255 = vector.broadcast %add3A_254 : i32 to vector<16xi32>
    %add3A_256 = arith.addi %iota3A, %add3A_255 : vector<16xi32>
    %jit3A_257 = arith.constant 6 : i32
    %div3A_258 = vector.broadcast %jit3A_257 : i32 to vector<16xi32>
    %div3A_259 = arith.divsi %add3A_256, %div3A_258 : vector<16xi32>
    %sign3A_260 = arith.constant 0 : i32
    %sign3A_261 = vector.broadcast %sign3A_260 : i32 to vector<16xi32>
    %sign3A_262 = arith.cmpi sgt, %add3A_256, %sign3A_261 : vector<16xi32>
    %sign3A_263 = arith.extui %sign3A_262 : vector<16xi1> to vector<16xi32>
    %sign3A_264 = arith.constant 0 : i32
    %sign3A_265 = vector.broadcast %sign3A_264 : i32 to vector<16xi32>
    %sign3A_266 = arith.cmpi slt, %add3A_256, %sign3A_265 : vector<16xi32>
    %sign3A_267 = arith.extui %sign3A_266 : vector<16xi1> to vector<16xi32>
    %sign3A_268 = arith.subi %sign3A_263, %sign3A_267 : vector<16xi32>
    %sign3A_269 = arith.constant 0 : i32
    %sign3A_270 = arith.cmpi sgt, %jit3A_257, %sign3A_269 : i32
    %sign3A_271 = arith.extui %sign3A_270 : i1 to i32
    %sign3A_272 = arith.constant 0 : i32
    %sign3A_273 = arith.cmpi slt, %jit3A_257, %sign3A_272 : i32
    %sign3A_274 = arith.extui %sign3A_273 : i1 to i32
    %sign3A_275 = arith.subi %sign3A_271, %sign3A_274 : i32
    %ne3A_276 = vector.broadcast %sign3A_275 : i32 to vector<16xi32>
    %ne3A_277 = arith.cmpi ne, %sign3A_268, %ne3A_276 : vector<16xi32>
    %rem3A_278 = vector.broadcast %jit3A_257 : i32 to vector<16xi32>
    %rem3A_279 = arith.remsi %add3A_256, %rem3A_278 : vector<16xi32>
    %ne3A_280 = arith.constant 0 : i32
    %ne3A_281 = vector.broadcast %ne3A_280 : i32 to vector<16xi32>
    %ne3A_282 = arith.cmpi ne, %rem3A_279, %ne3A_281 : vector<16xi32>
    %and3A_283 = arith.andi %ne3A_277, %ne3A_282 : vector<16xi1>
    %sub3A_284 = arith.constant 1 : i32
    %sub3A_285 = vector.broadcast %sub3A_284 : i32 to vector<16xi32>
    %sub3A_286 = arith.subi %div3A_259, %sub3A_285 : vector<16xi32>
    %select_n3A_287 = arith.select %and3A_283, %sub3A_286, %div3A_259 : vector<16xi1>, vector<16xi32>
    %swap3A_288 = arith.constant 112 : index
    %swap3A_289 = tpu.vector_load %arg8[%swap3A_288] {strides = array<i32>} : memref<384xi32, #tpu.memory_space<vmem>>, vector<16xi32>,
    tpu.vector_store %arg8[%swap3A_288], %select_n3A_287 {strides = array<i32>} : memref<384xi32, #tpu.memory_space<vmem>>, vector<16xi32>,
    %add3A_290 = arith.constant 128 : i32
    %add3A_291 = vector.broadcast %add3A_290 : i32 to vector<16xi32>
    %add3A_292 = arith.addi %iota3A, %add3A_291 : vector<16xi32>
    %jit3A_293 = arith.constant 6 : i32
    %div3A_294 = vector.broadcast %jit3A_293 : i32 to vector<16xi32>
    %div3A_295 = arith.divsi %add3A_292, %div3A_294 : vector<16xi32>
    %sign3A_296 = arith.constant 0 : i32
    %sign3A_297 = vector.broadcast %sign3A_296 : i32 to vector<16xi32>
    %sign3A_298 = arith.cmpi sgt, %add3A_292, %sign3A_297 : vector<16xi32>
    %sign3A_299 = arith.extui %sign3A_298 : vector<16xi1> to vector<16xi32>
    %sign3A_300 = arith.constant 0 : i32
    %sign3A_301 = vector.broadcast %sign3A_300 : i32 to vector<16xi32>
    %sign3A_302 = arith.cmpi slt, %add3A_292, %sign3A_301 : vector<16xi32>
    %sign3A_303 = arith.extui %sign3A_302 : vector<16xi1> to vector<16xi32>
    %sign3A_304 = arith.subi %sign3A_299, %sign3A_303 : vector<16xi32>
    %sign3A_305 = arith.constant 0 : i32
    %sign3A_306 = arith.cmpi sgt, %jit3A_293, %sign3A_305 : i32
    %sign3A_307 = arith.extui %sign3A_306 : i1 to i32
    %sign3A_308 = arith.constant 0 : i32
    %sign3A_309 = arith.cmpi slt, %jit3A_293, %sign3A_308 : i32
    %sign3A_310 = arith.extui %sign3A_309 : i1 to i32
    %sign3A_311 = arith.subi %sign3A_307, %sign3A_310 : i32
    %ne3A_312 = vector.broadcast %sign3A_311 : i32 to vector<16xi32>
    %ne3A_313 = arith.cmpi ne, %sign3A_304, %ne3A_312 : vector<16xi32>
    %rem3A_314 = vector.broadcast %jit3A_293 : i32 to vector<16xi32>
    %rem3A_315 = arith.remsi %add3A_292, %rem3A_314 : vector<16xi32>
    %ne3A_316 = arith.constant 0 : i32
    %ne3A_317 = vector.broadcast %ne3A_316 : i32 to vector<16xi32>
    %ne3A_318 = arith.cmpi ne, %rem3A_315, %ne3A_317 : vector<16xi32>
    %and3A_319 = arith.andi %ne3A_313, %ne3A_318 : vector<16xi1>
    %sub3A_320 = arith.constant 1 : i32
    %sub3A_321 = vector.broadcast %sub3A_320 : i32 to vector<16xi32>
    %sub3A_322 = arith.subi %div3A_295, %sub3A_321 : vector<16xi32>
    %select_n3A_323 = arith.select %and3A_319, %sub3A_322, %div3A_295 : vector<16xi1>, vector<16xi32>
    %swap3A_324 = arith.constant 128 : index
    %swap3A_325 = tpu.vector_load %arg8[%swap3A_324] {strides = array<i32>} : memref<384xi32, #tpu.memory_space<vmem>>, vector<16xi32>,
    tpu.vector_store %arg8[%swap3A_324], %select_n3A_323 {strides = array<i32>} : memref<384xi32, #tpu.memory_space<vmem>>, vector<16xi32>,
    %add3A_326 = arith.constant 144 : i32
    %add3A_327 = vector.broadcast %add3A_326 : i32 to vector<16xi32>
    %add3A_328 = arith.addi %iota3A, %add3A_327 : vector<16xi32>
    %jit3A_329 = arith.constant 6 : i32
    %div3A_330 = vector.broadcast %jit3A_329 : i32 to vector<16xi32>
    %div3A_331 = arith.divsi %add3A_328, %div3A_330 : vector<16xi32>
    %sign3A_332 = arith.constant 0 : i32
    %sign3A_333 = vector.broadcast %sign3A_332 : i32 to vector<16xi32>
    %sign3A_334 = arith.cmpi sgt, %add3A_328, %sign3A_333 : vector<16xi32>
    %sign3A_335 = arith.extui %sign3A_334 : vector<16xi1> to vector<16xi32>
    %sign3A_336 = arith.constant 0 : i32
    %sign3A_337 = vector.broadcast %sign3A_336 : i32 to vector<16xi32>
    %sign3A_338 = arith.cmpi slt, %add3A_328, %sign3A_337 : vector<16xi32>
    %sign3A_339 = arith.extui %sign3A_338 : vector<16xi1> to vector<16xi32>
    %sign3A_340 = arith.subi %sign3A_335, %sign3A_339 : vector<16xi32>
    %sign3A_341 = arith.constant 0 : i32
    %sign3A_342 = arith.cmpi sgt, %jit3A_329, %sign3A_341 : i32
    %sign3A_343 = arith.extui %sign3A_342 : i1 to i32
    %sign3A_344 = arith.constant 0 : i32
    %sign3A_345 = arith.cmpi slt, %jit3A_329, %sign3A_344 : i32
    %sign3A_346 = arith.extui %sign3A_345 : i1 to i32
    %sign3A_347 = arith.subi %sign3A_343, %sign3A_346 : i32
    %ne3A_348 = vector.broadcast %sign3A_347 : i32 to vector<16xi32>
    %ne3A_349 = arith.cmpi ne, %sign3A_340, %ne3A_348 : vector<16xi32>
    %rem3A_350 = vector.broadcast %jit3A_329 : i32 to vector<16xi32>
    %rem3A_351 = arith.remsi %add3A_328, %rem3A_350 : vector<16xi32>
    %ne3A_352 = arith.constant 0 : i32
    %ne3A_353 = vector.broadcast %ne3A_352 : i32 to vector<16xi32>
    %ne3A_354 = arith.cmpi ne, %rem3A_351, %ne3A_353 : vector<16xi32>
    %and3A_355 = arith.andi %ne3A_349, %ne3A_354 : vector<16xi1>
    %sub3A_356 = arith.constant 1 : i32
    %sub3A_357 = vector.broadcast %sub3A_356 : i32 to vector<16xi32>
    %sub3A_358 = arith.subi %div3A_331, %sub3A_357 : vector<16xi32>
    %select_n3A_359 = arith.select %and3A_355, %sub3A_358, %div3A_331 : vector<16xi1>, vector<16xi32>
    %swap3A_360 = arith.constant 144 : index
    %swap3A_361 = tpu.vector_load %arg8[%swap3A_360] {strides = array<i32>} : memref<384xi32, #tpu.memory_space<vmem>>, vector<16xi32>,
    tpu.vector_store %arg8[%swap3A_360], %select_n3A_359 {strides = array<i32>} : memref<384xi32, #tpu.memory_space<vmem>>, vector<16xi32>,
    %add3A_362 = arith.constant 160 : i32
    %add3A_363 = vector.broadcast %add3A_362 : i32 to vector<16xi32>
    %add3A_364 = arith.addi %iota3A, %add3A_363 : vector<16xi32>
    %jit3A_365 = arith.constant 6 : i32
    %div3A_366 = vector.broadcast %jit3A_365 : i32 to vector<16xi32>
    %div3A_367 = arith.divsi %add3A_364, %div3A_366 : vector<16xi32>
    %sign3A_368 = arith.constant 0 : i32
    %sign3A_369 = vector.broadcast %sign3A_368 : i32 to vector<16xi32>
    %sign3A_370 = arith.cmpi sgt, %add3A_364, %sign3A_369 : vector<16xi32>
    %sign3A_371 = arith.extui %sign3A_370 : vector<16xi1> to vector<16xi32>
    %sign3A_372 = arith.constant 0 : i32
    %sign3A_373 = vector.broadcast %sign3A_372 : i32 to vector<16xi32>
    %sign3A_374 = arith.cmpi slt, %add3A_364, %sign3A_373 : vector<16xi32>
    %sign3A_375 = arith.extui %sign3A_374 : vector<16xi1> to vector<16xi32>
    %sign3A_376 = arith.subi %sign3A_371, %sign3A_375 : vector<16xi32>
    %sign3A_377 = arith.constant 0 : i32
    %sign3A_378 = arith.cmpi sgt, %jit3A_365, %sign3A_377 : i32
    %sign3A_379 = arith.extui %sign3A_378 : i1 to i32
    %sign3A_380 = arith.constant 0 : i32
    %sign3A_381 = arith.cmpi slt, %jit3A_365, %sign3A_380 : i32
    %sign3A_382 = arith.extui %sign3A_381 : i1 to i32
    %sign3A_383 = arith.subi %sign3A_379, %sign3A_382 : i32
    %ne3A_384 = vector.broadcast %sign3A_383 : i32 to vector<16xi32>
    %ne3A_385 = arith.cmpi ne, %sign3A_376, %ne3A_384 : vector<16xi32>
    %rem3A_386 = vector.broadcast %jit3A_365 : i32 to vector<16xi32>
    %rem3A_387 = arith.remsi %add3A_364, %rem3A_386 : vector<16xi32>
    %ne3A_388 = arith.constant 0 : i32
    %ne3A_389 = vector.broadcast %ne3A_388 : i32 to vector<16xi32>
    %ne3A_390 = arith.cmpi ne, %rem3A_387, %ne3A_389 : vector<16xi32>
    %and3A_391 = arith.andi %ne3A_385, %ne3A_390 : vector<16xi1>
    %sub3A_392 = arith.constant 1 : i32
    %sub3A_393 = vector.broadcast %sub3A_392 : i32 to vector<16xi32>
    %sub3A_394 = arith.subi %div3A_367, %sub3A_393 : vector<16xi32>
    %select_n3A_395 = arith.select %and3A_391, %sub3A_394, %div3A_367 : vector<16xi1>, vector<16xi32>
    %swap3A_396 = arith.constant 160 : index
    %swap3A_397 = tpu.vector_load %arg8[%swap3A_396] {strides = array<i32>} : memref<384xi32, #tpu.memory_space<vmem>>, vector<16xi32>,
    tpu.vector_store %arg8[%swap3A_396], %select_n3A_395 {strides = array<i32>} : memref<384xi32, #tpu.memory_space<vmem>>, vector<16xi32>,
    %add3A_398 = arith.constant 176 : i32
    %add3A_399 = vector.broadcast %add3A_398 : i32 to vector<16xi32>
    %add3A_400 = arith.addi %iota3A, %add3A_399 : vector<16xi32>
    %jit3A_401 = arith.constant 6 : i32
    %div3A_402 = vector.broadcast %jit3A_401 : i32 to vector<16xi32>
    %div3A_403 = arith.divsi %add3A_400, %div3A_402 : vector<16xi32>
    %sign3A_404 = arith.constant 0 : i32
    %sign3A_405 = vector.broadcast %sign3A_404 : i32 to vector<16xi32>
    %sign3A_406 = arith.cmpi sgt, %add3A_400, %sign3A_405 : vector<16xi32>
    %sign3A_407 = arith.extui %sign3A_406 : vector<16xi1> to vector<16xi32>
    %sign3A_408 = arith.constant 0 : i32
    %sign3A_409 = vector.broadcast %sign3A_408 : i32 to vector<16xi32>
    %sign3A_410 = arith.cmpi slt, %add3A_400, %sign3A_409 : vector<16xi32>
    %sign3A_411 = arith.extui %sign3A_410 : vector<16xi1> to vector<16xi32>
    %sign3A_412 = arith.subi %sign3A_407, %sign3A_411 : vector<16xi32>
    %sign3A_413 = arith.constant 0 : i32
    %sign3A_414 = arith.cmpi sgt, %jit3A_401, %sign3A_413 : i32
    %sign3A_415 = arith.extui %sign3A_414 : i1 to i32
    %sign3A_416 = arith.constant 0 : i32
    %sign3A_417 = arith.cmpi slt, %jit3A_401, %sign3A_416 : i32
    %sign3A_418 = arith.extui %sign3A_417 : i1 to i32
    %sign3A_419 = arith.subi %sign3A_415, %sign3A_418 : i32
    %ne3A_420 = vector.broadcast %sign3A_419 : i32 to vector<16xi32>
    %ne3A_421 = arith.cmpi ne, %sign3A_412, %ne3A_420 : vector<16xi32>
    %rem3A_422 = vector.broadcast %jit3A_401 : i32 to vector<16xi32>
    %rem3A_423 = arith.remsi %add3A_400, %rem3A_422 : vector<16xi32>
    %ne3A_424 = arith.constant 0 : i32
    %ne3A_425 = vector.broadcast %ne3A_424 : i32 to vector<16xi32>
    %ne3A_426 = arith.cmpi ne, %rem3A_423, %ne3A_425 : vector<16xi32>
    %and3A_427 = arith.andi %ne3A_421, %ne3A_426 : vector<16xi1>
    %sub3A_428 = arith.constant 1 : i32
    %sub3A_429 = vector.broadcast %sub3A_428 : i32 to vector<16xi32>
    %sub3A_430 = arith.subi %div3A_403, %sub3A_429 : vector<16xi32>
    %select_n3A_431 = arith.select %and3A_427, %sub3A_430, %div3A_403 : vector<16xi1>, vector<16xi32>
    %swap3A_432 = arith.constant 176 : index
    %swap3A_433 = tpu.vector_load %arg8[%swap3A_432] {strides = array<i32>} : memref<384xi32, #tpu.memory_space<vmem>>, vector<16xi32>,
    tpu.vector_store %arg8[%swap3A_432], %select_n3A_431 {strides = array<i32>} : memref<384xi32, #tpu.memory_space<vmem>>, vector<16xi32>,
    %add3A_434 = arith.constant 192 : i32
    %add3A_435 = vector.broadcast %add3A_434 : i32 to vector<16xi32>
    %add3A_436 = arith.addi %iota3A, %add3A_435 : vector<16xi32>
    %jit3A_437 = arith.constant 6 : i32
    %div3A_438 = vector.broadcast %jit3A_437 : i32 to vector<16xi32>
    %div3A_439 = arith.divsi %add3A_436, %div3A_438 : vector<16xi32>
    %sign3A_440 = arith.constant 0 : i32
    %sign3A_441 = vector.broadcast %sign3A_440 : i32 to vector<16xi32>
    %sign3A_442 = arith.cmpi sgt, %add3A_436, %sign3A_441 : vector<16xi32>
    %sign3A_443 = arith.extui %sign3A_442 : vector<16xi1> to vector<16xi32>
    %sign3A_444 = arith.constant 0 : i32
    %sign3A_445 = vector.broadcast %sign3A_444 : i32 to vector<16xi32>
    %sign3A_446 = arith.cmpi slt, %add3A_436, %sign3A_445 : vector<16xi32>
    %sign3A_447 = arith.extui %sign3A_446 : vector<16xi1> to vector<16xi32>
    %sign3A_448 = arith.subi %sign3A_443, %sign3A_447 : vector<16xi32>
    %sign3A_449 = arith.constant 0 : i32
    %sign3A_450 = arith.cmpi sgt, %jit3A_437, %sign3A_449 : i32
    %sign3A_451 = arith.extui %sign3A_450 : i1 to i32
    %sign3A_452 = arith.constant 0 : i32
    %sign3A_453 = arith.cmpi slt, %jit3A_437, %sign3A_452 : i32
    %sign3A_454 = arith.extui %sign3A_453 : i1 to i32
    %sign3A_455 = arith.subi %sign3A_451, %sign3A_454 : i32
    %ne3A_456 = vector.broadcast %sign3A_455 : i32 to vector<16xi32>
    %ne3A_457 = arith.cmpi ne, %sign3A_448, %ne3A_456 : vector<16xi32>
    %rem3A_458 = vector.broadcast %jit3A_437 : i32 to vector<16xi32>
    %rem3A_459 = arith.remsi %add3A_436, %rem3A_458 : vector<16xi32>
    %ne3A_460 = arith.constant 0 : i32
    %ne3A_461 = vector.broadcast %ne3A_460 : i32 to vector<16xi32>
    %ne3A_462 = arith.cmpi ne, %rem3A_459, %ne3A_461 : vector<16xi32>
    %and3A_463 = arith.andi %ne3A_457, %ne3A_462 : vector<16xi1>
    %sub3A_464 = arith.constant 1 : i32
    %sub3A_465 = vector.broadcast %sub3A_464 : i32 to vector<16xi32>
    %sub3A_466 = arith.subi %div3A_439, %sub3A_465 : vector<16xi32>
    %select_n3A_467 = arith.select %and3A_463, %sub3A_466, %div3A_439 : vector<16xi1>, vector<16xi32>
    %swap3A_468 = arith.constant 192 : index
    %swap3A_469 = tpu.vector_load %arg8[%swap3A_468] {strides = array<i32>} : memref<384xi32, #tpu.memory_space<vmem>>, vector<16xi32>,
    tpu.vector_store %arg8[%swap3A_468], %select_n3A_467 {strides = array<i32>} : memref<384xi32, #tpu.memory_space<vmem>>, vector<16xi32>,
    %add3A_470 = arith.constant 208 : i32
    %add3A_471 = vector.broadcast %add3A_470 : i32 to vector<16xi32>
    %add3A_472 = arith.addi %iota3A, %add3A_471 : vector<16xi32>
    %jit3A_473 = arith.constant 6 : i32
    %div3A_474 = vector.broadcast %jit3A_473 : i32 to vector<16xi32>
    %div3A_475 = arith.divsi %add3A_472, %div3A_474 : vector<16xi32>
    %sign3A_476 = arith.constant 0 : i32
    %sign3A_477 = vector.broadcast %sign3A_476 : i32 to vector<16xi32>
    %sign3A_478 = arith.cmpi sgt, %add3A_472, %sign3A_477 : vector<16xi32>
    %sign3A_479 = arith.extui %sign3A_478 : vector<16xi1> to vector<16xi32>
    %sign3A_480 = arith.constant 0 : i32
    %sign3A_481 = vector.broadcast %sign3A_480 : i32 to vector<16xi32>
    %sign3A_482 = arith.cmpi slt, %add3A_472, %sign3A_481 : vector<16xi32>
    %sign3A_483 = arith.extui %sign3A_482 : vector<16xi1> to vector<16xi32>
    %sign3A_484 = arith.subi %sign3A_479, %sign3A_483 : vector<16xi32>
    %sign3A_485 = arith.constant 0 : i32
    %sign3A_486 = arith.cmpi sgt, %jit3A_473, %sign3A_485 : i32
    %sign3A_487 = arith.extui %sign3A_486 : i1 to i32
    %sign3A_488 = arith.constant 0 : i32
    %sign3A_489 = arith.cmpi slt, %jit3A_473, %sign3A_488 : i32
    %sign3A_490 = arith.extui %sign3A_489 : i1 to i32
    %sign3A_491 = arith.subi %sign3A_487, %sign3A_490 : i32
    %ne3A_492 = vector.broadcast %sign3A_491 : i32 to vector<16xi32>
    %ne3A_493 = arith.cmpi ne, %sign3A_484, %ne3A_492 : vector<16xi32>
    %rem3A_494 = vector.broadcast %jit3A_473 : i32 to vector<16xi32>
    %rem3A_495 = arith.remsi %add3A_472, %rem3A_494 : vector<16xi32>
    %ne3A_496 = arith.constant 0 : i32
    %ne3A_497 = vector.broadcast %ne3A_496 : i32 to vector<16xi32>
    %ne3A_498 = arith.cmpi ne, %rem3A_495, %ne3A_497 : vector<16xi32>
    %and3A_499 = arith.andi %ne3A_493, %ne3A_498 : vector<16xi1>
    %sub3A_500 = arith.constant 1 : i32
    %sub3A_501 = vector.broadcast %sub3A_500 : i32 to vector<16xi32>
    %sub3A_502 = arith.subi %div3A_475, %sub3A_501 : vector<16xi32>
    %select_n3A_503 = arith.select %and3A_499, %sub3A_502, %div3A_475 : vector<16xi1>, vector<16xi32>
    %swap3A_504 = arith.constant 208 : index
    %swap3A_505 = tpu.vector_load %arg8[%swap3A_504] {strides = array<i32>} : memref<384xi32, #tpu.memory_space<vmem>>, vector<16xi32>,
    tpu.vector_store %arg8[%swap3A_504], %select_n3A_503 {strides = array<i32>} : memref<384xi32, #tpu.memory_space<vmem>>, vector<16xi32>,
    %add3A_506 = arith.constant 224 : i32
    %add3A_507 = vector.broadcast %add3A_506 : i32 to vector<16xi32>
    %add3A_508 = arith.addi %iota3A, %add3A_507 : vector<16xi32>
    %jit3A_509 = arith.constant 6 : i32
    %div3A_510 = vector.broadcast %jit3A_509 : i32 to vector<16xi32>
    %div3A_511 = arith.divsi %add3A_508, %div3A_510 : vector<16xi32>
    %sign3A_512 = arith.constant 0 : i32
    %sign3A_513 = vector.broadcast %sign3A_512 : i32 to vector<16xi32>
    %sign3A_514 = arith.cmpi sgt, %add3A_508, %sign3A_513 : vector<16xi32>
    %sign3A_515 = arith.extui %sign3A_514 : vector<16xi1> to vector<16xi32>
    %sign3A_516 = arith.constant 0 : i32
    %sign3A_517 = vector.broadcast %sign3A_516 : i32 to vector<16xi32>
    %sign3A_518 = arith.cmpi slt, %add3A_508, %sign3A_517 : vector<16xi32>
    %sign3A_519 = arith.extui %sign3A_518 : vector<16xi1> to vector<16xi32>
    %sign3A_520 = arith.subi %sign3A_515, %sign3A_519 : vector<16xi32>
    %sign3A_521 = arith.constant 0 : i32
    %sign3A_522 = arith.cmpi sgt, %jit3A_509, %sign3A_521 : i32
    %sign3A_523 = arith.extui %sign3A_522 : i1 to i32
    %sign3A_524 = arith.constant 0 : i32
    %sign3A_525 = arith.cmpi slt, %jit3A_509, %sign3A_524 : i32
    %sign3A_526 = arith.extui %sign3A_525 : i1 to i32
    %sign3A_527 = arith.subi %sign3A_523, %sign3A_526 : i32
    %ne3A_528 = vector.broadcast %sign3A_527 : i32 to vector<16xi32>
    %ne3A_529 = arith.cmpi ne, %sign3A_520, %ne3A_528 : vector<16xi32>
    %rem3A_530 = vector.broadcast %jit3A_509 : i32 to vector<16xi32>
    %rem3A_531 = arith.remsi %add3A_508, %rem3A_530 : vector<16xi32>
    %ne3A_532 = arith.constant 0 : i32
    %ne3A_533 = vector.broadcast %ne3A_532 : i32 to vector<16xi32>
    %ne3A_534 = arith.cmpi ne, %rem3A_531, %ne3A_533 : vector<16xi32>
    %and3A_535 = arith.andi %ne3A_529, %ne3A_534 : vector<16xi1>
    %sub3A_536 = arith.constant 1 : i32
    %sub3A_537 = vector.broadcast %sub3A_536 : i32 to vector<16xi32>
    %sub3A_538 = arith.subi %div3A_511, %sub3A_537 : vector<16xi32>
    %select_n3A_539 = arith.select %and3A_535, %sub3A_538, %div3A_511 : vector<16xi1>, vector<16xi32>
    %swap3A_540 = arith.constant 224 : index
    %swap3A_541 = tpu.vector_load %arg8[%swap3A_540] {strides = array<i32>} : memref<384xi32, #tpu.memory_space<vmem>>, vector<16xi32>,
    tpu.vector_store %arg8[%swap3A_540], %select_n3A_539 {strides = array<i32>} : memref<384xi32, #tpu.memory_space<vmem>>, vector<16xi32>,
    %add3A_542 = arith.constant 240 : i32
    %add3A_543 = vector.broadcast %add3A_542 : i32 to vector<16xi32>
    %add3A_544 = arith.addi %iota3A, %add3A_543 : vector<16xi32>
    %jit3A_545 = arith.constant 6 : i32
    %div3A_546 = vector.broadcast %jit3A_545 : i32 to vector<16xi32>
    %div3A_547 = arith.divsi %add3A_544, %div3A_546 : vector<16xi32>
    %sign3A_548 = arith.constant 0 : i32
    %sign3A_549 = vector.broadcast %sign3A_548 : i32 to vector<16xi32>
    %sign3A_550 = arith.cmpi sgt, %add3A_544, %sign3A_549 : vector<16xi32>
    %sign3A_551 = arith.extui %sign3A_550 : vector<16xi1> to vector<16xi32>
    %sign3A_552 = arith.constant 0 : i32
    %sign3A_553 = vector.broadcast %sign3A_552 : i32 to vector<16xi32>
    %sign3A_554 = arith.cmpi slt, %add3A_544, %sign3A_553 : vector<16xi32>
    %sign3A_555 = arith.extui %sign3A_554 : vector<16xi1> to vector<16xi32>
    %sign3A_556 = arith.subi %sign3A_551, %sign3A_555 : vector<16xi32>
    %sign3A_557 = arith.constant 0 : i32
    %sign3A_558 = arith.cmpi sgt, %jit3A_545, %sign3A_557 : i32
    %sign3A_559 = arith.extui %sign3A_558 : i1 to i32
    %sign3A_560 = arith.constant 0 : i32
    %sign3A_561 = arith.cmpi slt, %jit3A_545, %sign3A_560 : i32
    %sign3A_562 = arith.extui %sign3A_561 : i1 to i32
    %sign3A_563 = arith.subi %sign3A_559, %sign3A_562 : i32
    %ne3A_564 = vector.broadcast %sign3A_563 : i32 to vector<16xi32>
    %ne3A_565 = arith.cmpi ne, %sign3A_556, %ne3A_564 : vector<16xi32>
    %rem3A_566 = vector.broadcast %jit3A_545 : i32 to vector<16xi32>
    %rem3A_567 = arith.remsi %add3A_544, %rem3A_566 : vector<16xi32>
    %ne3A_568 = arith.constant 0 : i32
    %ne3A_569 = vector.broadcast %ne3A_568 : i32 to vector<16xi32>
    %ne3A_570 = arith.cmpi ne, %rem3A_567, %ne3A_569 : vector<16xi32>
    %and3A_571 = arith.andi %ne3A_565, %ne3A_570 : vector<16xi1>
    %sub3A_572 = arith.constant 1 : i32
    %sub3A_573 = vector.broadcast %sub3A_572 : i32 to vector<16xi32>
    %sub3A_574 = arith.subi %div3A_547, %sub3A_573 : vector<16xi32>
    %select_n3A_575 = arith.select %and3A_571, %sub3A_574, %div3A_547 : vector<16xi1>, vector<16xi32>
    %swap3A_576 = arith.constant 240 : index
    %swap3A_577 = tpu.vector_load %arg8[%swap3A_576] {strides = array<i32>} : memref<384xi32, #tpu.memory_space<vmem>>, vector<16xi32>,
    tpu.vector_store %arg8[%swap3A_576], %select_n3A_575 {strides = array<i32>} : memref<384xi32, #tpu.memory_space<vmem>>, vector<16xi32>,
    %add3A_578 = arith.constant 256 : i32
    %add3A_579 = vector.broadcast %add3A_578 : i32 to vector<16xi32>
    %add3A_580 = arith.addi %iota3A, %add3A_579 : vector<16xi32>
    %jit3A_581 = arith.constant 6 : i32
    %div3A_582 = vector.broadcast %jit3A_581 : i32 to vector<16xi32>
    %div3A_583 = arith.divsi %add3A_580, %div3A_582 : vector<16xi32>
    %sign3A_584 = arith.constant 0 : i32
    %sign3A_585 = vector.broadcast %sign3A_584 : i32 to vector<16xi32>
    %sign3A_586 = arith.cmpi sgt, %add3A_580, %sign3A_585 : vector<16xi32>
    %sign3A_587 = arith.extui %sign3A_586 : vector<16xi1> to vector<16xi32>
    %sign3A_588 = arith.constant 0 : i32
    %sign3A_589 = vector.broadcast %sign3A_588 : i32 to vector<16xi32>
    %sign3A_590 = arith.cmpi slt, %add3A_580, %sign3A_589 : vector<16xi32>
    %sign3A_591 = arith.extui %sign3A_590 : vector<16xi1> to vector<16xi32>
    %sign3A_592 = arith.subi %sign3A_587, %sign3A_591 : vector<16xi32>
    %sign3A_593 = arith.constant 0 : i32
    %sign3A_594 = arith.cmpi sgt, %jit3A_581, %sign3A_593 : i32
    %sign3A_595 = arith.extui %sign3A_594 : i1 to i32
    %sign3A_596 = arith.constant 0 : i32
    %sign3A_597 = arith.cmpi slt, %jit3A_581, %sign3A_596 : i32
    %sign3A_598 = arith.extui %sign3A_597 : i1 to i32
    %sign3A_599 = arith.subi %sign3A_595, %sign3A_598 : i32
    %ne3A_600 = vector.broadcast %sign3A_599 : i32 to vector<16xi32>
    %ne3A_601 = arith.cmpi ne, %sign3A_592, %ne3A_600 : vector<16xi32>
    %rem3A_602 = vector.broadcast %jit3A_581 : i32 to vector<16xi32>
    %rem3A_603 = arith.remsi %add3A_580, %rem3A_602 : vector<16xi32>
    %ne3A_604 = arith.constant 0 : i32
    %ne3A_605 = vector.broadcast %ne3A_604 : i32 to vector<16xi32>
    %ne3A_606 = arith.cmpi ne, %rem3A_603, %ne3A_605 : vector<16xi32>
    %and3A_607 = arith.andi %ne3A_601, %ne3A_606 : vector<16xi1>
    %sub3A_608 = arith.constant 1 : i32
    %sub3A_609 = vector.broadcast %sub3A_608 : i32 to vector<16xi32>
    %sub3A_610 = arith.subi %div3A_583, %sub3A_609 : vector<16xi32>
    %select_n3A_611 = arith.select %and3A_607, %sub3A_610, %div3A_583 : vector<16xi1>, vector<16xi32>
    %swap3A_612 = arith.constant 256 : index
    %swap3A_613 = tpu.vector_load %arg8[%swap3A_612] {strides = array<i32>} : memref<384xi32, #tpu.memory_space<vmem>>, vector<16xi32>,
    tpu.vector_store %arg8[%swap3A_612], %select_n3A_611 {strides = array<i32>} : memref<384xi32, #tpu.memory_space<vmem>>, vector<16xi32>,
    %add3A_614 = arith.constant 272 : i32
    %add3A_615 = vector.broadcast %add3A_614 : i32 to vector<16xi32>
    %add3A_616 = arith.addi %iota3A, %add3A_615 : vector<16xi32>
    %jit3A_617 = arith.constant 6 : i32
    %div3A_618 = vector.broadcast %jit3A_617 : i32 to vector<16xi32>
    %div3A_619 = arith.divsi %add3A_616, %div3A_618 : vector<16xi32>
    %sign3A_620 = arith.constant 0 : i32
    %sign3A_621 = vector.broadcast %sign3A_620 : i32 to vector<16xi32>
    %sign3A_622 = arith.cmpi sgt, %add3A_616, %sign3A_621 : vector<16xi32>
    %sign3A_623 = arith.extui %sign3A_622 : vector<16xi1> to vector<16xi32>
    %sign3A_624 = arith.constant 0 : i32
    %sign3A_625 = vector.broadcast %sign3A_624 : i32 to vector<16xi32>
    %sign3A_626 = arith.cmpi slt, %add3A_616, %sign3A_625 : vector<16xi32>
    %sign3A_627 = arith.extui %sign3A_626 : vector<16xi1> to vector<16xi32>
    %sign3A_628 = arith.subi %sign3A_623, %sign3A_627 : vector<16xi32>
    %sign3A_629 = arith.constant 0 : i32
    %sign3A_630 = arith.cmpi sgt, %jit3A_617, %sign3A_629 : i32
    %sign3A_631 = arith.extui %sign3A_630 : i1 to i32
    %sign3A_632 = arith.constant 0 : i32
    %sign3A_633 = arith.cmpi slt, %jit3A_617, %sign3A_632 : i32
    %sign3A_634 = arith.extui %sign3A_633 : i1 to i32
    %sign3A_635 = arith.subi %sign3A_631, %sign3A_634 : i32
    %ne3A_636 = vector.broadcast %sign3A_635 : i32 to vector<16xi32>
    %ne3A_637 = arith.cmpi ne, %sign3A_628, %ne3A_636 : vector<16xi32>
    %rem3A_638 = vector.broadcast %jit3A_617 : i32 to vector<16xi32>
    %rem3A_639 = arith.remsi %add3A_616, %rem3A_638 : vector<16xi32>
    %ne3A_640 = arith.constant 0 : i32
    %ne3A_641 = vector.broadcast %ne3A_640 : i32 to vector<16xi32>
    %ne3A_642 = arith.cmpi ne, %rem3A_639, %ne3A_641 : vector<16xi32>
    %and3A_643 = arith.andi %ne3A_637, %ne3A_642 : vector<16xi1>
    %sub3A_644 = arith.constant 1 : i32
    %sub3A_645 = vector.broadcast %sub3A_644 : i32 to vector<16xi32>
    %sub3A_646 = arith.subi %div3A_619, %sub3A_645 : vector<16xi32>
    %select_n3A_647 = arith.select %and3A_643, %sub3A_646, %div3A_619 : vector<16xi1>, vector<16xi32>
    %swap3A_648 = arith.constant 272 : index
    %swap3A_649 = tpu.vector_load %arg8[%swap3A_648] {strides = array<i32>} : memref<384xi32, #tpu.memory_space<vmem>>, vector<16xi32>,
    tpu.vector_store %arg8[%swap3A_648], %select_n3A_647 {strides = array<i32>} : memref<384xi32, #tpu.memory_space<vmem>>, vector<16xi32>,
    %add3A_650 = arith.constant 288 : i32
    %add3A_651 = vector.broadcast %add3A_650 : i32 to vector<16xi32>
    %add3A_652 = arith.addi %iota3A, %add3A_651 : vector<16xi32>
    %jit3A_653 = arith.constant 6 : i32
    %div3A_654 = vector.broadcast %jit3A_653 : i32 to vector<16xi32>
    %div3A_655 = arith.divsi %add3A_652, %div3A_654 : vector<16xi32>
    %sign3A_656 = arith.constant 0 : i32
    %sign3A_657 = vector.broadcast %sign3A_656 : i32 to vector<16xi32>
    %sign3A_658 = arith.cmpi sgt, %add3A_652, %sign3A_657 : vector<16xi32>
    %sign3A_659 = arith.extui %sign3A_658 : vector<16xi1> to vector<16xi32>
    %sign3A_660 = arith.constant 0 : i32
    %sign3A_661 = vector.broadcast %sign3A_660 : i32 to vector<16xi32>
    %sign3A_662 = arith.cmpi slt, %add3A_652, %sign3A_661 : vector<16xi32>
    %sign3A_663 = arith.extui %sign3A_662 : vector<16xi1> to vector<16xi32>
    %sign3A_664 = arith.subi %sign3A_659, %sign3A_663 : vector<16xi32>
    %sign3A_665 = arith.constant 0 : i32
    %sign3A_666 = arith.cmpi sgt, %jit3A_653, %sign3A_665 : i32
    %sign3A_667 = arith.extui %sign3A_666 : i1 to i32
    %sign3A_668 = arith.constant 0 : i32
    %sign3A_669 = arith.cmpi slt, %jit3A_653, %sign3A_668 : i32
    %sign3A_670 = arith.extui %sign3A_669 : i1 to i32
    %sign3A_671 = arith.subi %sign3A_667, %sign3A_670 : i32
    %ne3A_672 = vector.broadcast %sign3A_671 : i32 to vector<16xi32>
    %ne3A_673 = arith.cmpi ne, %sign3A_664, %ne3A_672 : vector<16xi32>
    %rem3A_674 = vector.broadcast %jit3A_653 : i32 to vector<16xi32>
    %rem3A_675 = arith.remsi %add3A_652, %rem3A_674 : vector<16xi32>
    %ne3A_676 = arith.constant 0 : i32
    %ne3A_677 = vector.broadcast %ne3A_676 : i32 to vector<16xi32>
    %ne3A_678 = arith.cmpi ne, %rem3A_675, %ne3A_677 : vector<16xi32>
    %and3A_679 = arith.andi %ne3A_673, %ne3A_678 : vector<16xi1>
    %sub3A_680 = arith.constant 1 : i32
    %sub3A_681 = vector.broadcast %sub3A_680 : i32 to vector<16xi32>
    %sub3A_682 = arith.subi %div3A_655, %sub3A_681 : vector<16xi32>
    %select_n3A_683 = arith.select %and3A_679, %sub3A_682, %div3A_655 : vector<16xi1>, vector<16xi32>
    %swap3A_684 = arith.constant 288 : index
    %swap3A_685 = tpu.vector_load %arg8[%swap3A_684] {strides = array<i32>} : memref<384xi32, #tpu.memory_space<vmem>>, vector<16xi32>,
    tpu.vector_store %arg8[%swap3A_684], %select_n3A_683 {strides = array<i32>} : memref<384xi32, #tpu.memory_space<vmem>>, vector<16xi32>,
    %add3A_686 = arith.constant 304 : i32
    %add3A_687 = vector.broadcast %add3A_686 : i32 to vector<16xi32>
    %add3A_688 = arith.addi %iota3A, %add3A_687 : vector<16xi32>
    %jit3A_689 = arith.constant 6 : i32
    %div3A_690 = vector.broadcast %jit3A_689 : i32 to vector<16xi32>
    %div3A_691 = arith.divsi %add3A_688, %div3A_690 : vector<16xi32>
    %sign3A_692 = arith.constant 0 : i32
    %sign3A_693 = vector.broadcast %sign3A_692 : i32 to vector<16xi32>
    %sign3A_694 = arith.cmpi sgt, %add3A_688, %sign3A_693 : vector<16xi32>
    %sign3A_695 = arith.extui %sign3A_694 : vector<16xi1> to vector<16xi32>
    %sign3A_696 = arith.constant 0 : i32
    %sign3A_697 = vector.broadcast %sign3A_696 : i32 to vector<16xi32>
    %sign3A_698 = arith.cmpi slt, %add3A_688, %sign3A_697 : vector<16xi32>
    %sign3A_699 = arith.extui %sign3A_698 : vector<16xi1> to vector<16xi32>
    %sign3A_700 = arith.subi %sign3A_695, %sign3A_699 : vector<16xi32>
    %sign3A_701 = arith.constant 0 : i32
    %sign3A_702 = arith.cmpi sgt, %jit3A_689, %sign3A_701 : i32
    %sign3A_703 = arith.extui %sign3A_702 : i1 to i32
    %sign3A_704 = arith.constant 0 : i32
    %sign3A_705 = arith.cmpi slt, %jit3A_689, %sign3A_704 : i32
    %sign3A_706 = arith.extui %sign3A_705 : i1 to i32
    %sign3A_707 = arith.subi %sign3A_703, %sign3A_706 : i32
    %ne3A_708 = vector.broadcast %sign3A_707 : i32 to vector<16xi32>
    %ne3A_709 = arith.cmpi ne, %sign3A_700, %ne3A_708 : vector<16xi32>
    %rem3A_710 = vector.broadcast %jit3A_689 : i32 to vector<16xi32>
    %rem3A_711 = arith.remsi %add3A_688, %rem3A_710 : vector<16xi32>
    %ne3A_712 = arith.constant 0 : i32
    %ne3A_713 = vector.broadcast %ne3A_712 : i32 to vector<16xi32>
    %ne3A_714 = arith.cmpi ne, %rem3A_711, %ne3A_713 : vector<16xi32>
    %and3A_715 = arith.andi %ne3A_709, %ne3A_714 : vector<16xi1>
    %sub3A_716 = arith.constant 1 : i32
    %sub3A_717 = vector.broadcast %sub3A_716 : i32 to vector<16xi32>
    %sub3A_718 = arith.subi %div3A_691, %sub3A_717 : vector<16xi32>
    %select_n3A_719 = arith.select %and3A_715, %sub3A_718, %div3A_691 : vector<16xi1>, vector<16xi32>
    %swap3A_720 = arith.constant 304 : index
    %swap3A_721 = tpu.vector_load %arg8[%swap3A_720] {strides = array<i32>} : memref<384xi32, #tpu.memory_space<vmem>>, vector<16xi32>,
    tpu.vector_store %arg8[%swap3A_720], %select_n3A_719 {strides = array<i32>} : memref<384xi32, #tpu.memory_space<vmem>>, vector<16xi32>,
    %add3A_722 = arith.constant 320 : i32
    %add3A_723 = vector.broadcast %add3A_722 : i32 to vector<16xi32>
    %add3A_724 = arith.addi %iota3A, %add3A_723 : vector<16xi32>
    %jit3A_725 = arith.constant 6 : i32
    %div3A_726 = vector.broadcast %jit3A_725 : i32 to vector<16xi32>
    %div3A_727 = arith.divsi %add3A_724, %div3A_726 : vector<16xi32>
    %sign3A_728 = arith.constant 0 : i32
    %sign3A_729 = vector.broadcast %sign3A_728 : i32 to vector<16xi32>
    %sign3A_730 = arith.cmpi sgt, %add3A_724, %sign3A_729 : vector<16xi32>
    %sign3A_731 = arith.extui %sign3A_730 : vector<16xi1> to vector<16xi32>
    %sign3A_732 = arith.constant 0 : i32
    %sign3A_733 = vector.broadcast %sign3A_732 : i32 to vector<16xi32>
    %sign3A_734 = arith.cmpi slt, %add3A_724, %sign3A_733 : vector<16xi32>
    %sign3A_735 = arith.extui %sign3A_734 : vector<16xi1> to vector<16xi32>
    %sign3A_736 = arith.subi %sign3A_731, %sign3A_735 : vector<16xi32>
    %sign3A_737 = arith.constant 0 : i32
    %sign3A_738 = arith.cmpi sgt, %jit3A_725, %sign3A_737 : i32
    %sign3A_739 = arith.extui %sign3A_738 : i1 to i32
    %sign3A_740 = arith.constant 0 : i32
    %sign3A_741 = arith.cmpi slt, %jit3A_725, %sign3A_740 : i32
    %sign3A_742 = arith.extui %sign3A_741 : i1 to i32
    %sign3A_743 = arith.subi %sign3A_739, %sign3A_742 : i32
    %ne3A_744 = vector.broadcast %sign3A_743 : i32 to vector<16xi32>
    %ne3A_745 = arith.cmpi ne, %sign3A_736, %ne3A_744 : vector<16xi32>
    %rem3A_746 = vector.broadcast %jit3A_725 : i32 to vector<16xi32>
    %rem3A_747 = arith.remsi %add3A_724, %rem3A_746 : vector<16xi32>
    %ne3A_748 = arith.constant 0 : i32
    %ne3A_749 = vector.broadcast %ne3A_748 : i32 to vector<16xi32>
    %ne3A_750 = arith.cmpi ne, %rem3A_747, %ne3A_749 : vector<16xi32>
    %and3A_751 = arith.andi %ne3A_745, %ne3A_750 : vector<16xi1>
    %sub3A_752 = arith.constant 1 : i32
    %sub3A_753 = vector.broadcast %sub3A_752 : i32 to vector<16xi32>
    %sub3A_754 = arith.subi %div3A_727, %sub3A_753 : vector<16xi32>
    %select_n3A_755 = arith.select %and3A_751, %sub3A_754, %div3A_727 : vector<16xi1>, vector<16xi32>
    %swap3A_756 = arith.constant 320 : index
    %swap3A_757 = tpu.vector_load %arg8[%swap3A_756] {strides = array<i32>} : memref<384xi32, #tpu.memory_space<vmem>>, vector<16xi32>,
    tpu.vector_store %arg8[%swap3A_756], %select_n3A_755 {strides = array<i32>} : memref<384xi32, #tpu.memory_space<vmem>>, vector<16xi32>,
    %add3A_758 = arith.constant 336 : i32
    %add3A_759 = vector.broadcast %add3A_758 : i32 to vector<16xi32>
    %add3A_760 = arith.addi %iota3A, %add3A_759 : vector<16xi32>
    %jit3A_761 = arith.constant 6 : i32
    %div3A_762 = vector.broadcast %jit3A_761 : i32 to vector<16xi32>
    %div3A_763 = arith.divsi %add3A_760, %div3A_762 : vector<16xi32>
    %sign3A_764 = arith.constant 0 : i32
    %sign3A_765 = vector.broadcast %sign3A_764 : i32 to vector<16xi32>
    %sign3A_766 = arith.cmpi sgt, %add3A_760, %sign3A_765 : vector<16xi32>
    %sign3A_767 = arith.extui %sign3A_766 : vector<16xi1> to vector<16xi32>
    %sign3A_768 = arith.constant 0 : i32
    %sign3A_769 = vector.broadcast %sign3A_768 : i32 to vector<16xi32>
    %sign3A_770 = arith.cmpi slt, %add3A_760, %sign3A_769 : vector<16xi32>
    %sign3A_771 = arith.extui %sign3A_770 : vector<16xi1> to vector<16xi32>
    %sign3A_772 = arith.subi %sign3A_767, %sign3A_771 : vector<16xi32>
    %sign3A_773 = arith.constant 0 : i32
    %sign3A_774 = arith.cmpi sgt, %jit3A_761, %sign3A_773 : i32
    %sign3A_775 = arith.extui %sign3A_774 : i1 to i32
    %sign3A_776 = arith.constant 0 : i32
    %sign3A_777 = arith.cmpi slt, %jit3A_761, %sign3A_776 : i32
    %sign3A_778 = arith.extui %sign3A_777 : i1 to i32
    %sign3A_779 = arith.subi %sign3A_775, %sign3A_778 : i32
    %ne3A_780 = vector.broadcast %sign3A_779 : i32 to vector<16xi32>
    %ne3A_781 = arith.cmpi ne, %sign3A_772, %ne3A_780 : vector<16xi32>
    %rem3A_782 = vector.broadcast %jit3A_761 : i32 to vector<16xi32>
    %rem3A_783 = arith.remsi %add3A_760, %rem3A_782 : vector<16xi32>
    %ne3A_784 = arith.constant 0 : i32
    %ne3A_785 = vector.broadcast %ne3A_784 : i32 to vector<16xi32>
    %ne3A_786 = arith.cmpi ne, %rem3A_783, %ne3A_785 : vector<16xi32>
    %and3A_787 = arith.andi %ne3A_781, %ne3A_786 : vector<16xi1>
    %sub3A_788 = arith.constant 1 : i32
    %sub3A_789 = vector.broadcast %sub3A_788 : i32 to vector<16xi32>
    %sub3A_790 = arith.subi %div3A_763, %sub3A_789 : vector<16xi32>
    %select_n3A_791 = arith.select %and3A_787, %sub3A_790, %div3A_763 : vector<16xi1>, vector<16xi32>
    %swap3A_792 = arith.constant 336 : index
    %swap3A_793 = tpu.vector_load %arg8[%swap3A_792] {strides = array<i32>} : memref<384xi32, #tpu.memory_space<vmem>>, vector<16xi32>,
    tpu.vector_store %arg8[%swap3A_792], %select_n3A_791 {strides = array<i32>} : memref<384xi32, #tpu.memory_space<vmem>>, vector<16xi32>,
    %add3A_794 = arith.constant 352 : i32
    %add3A_795 = vector.broadcast %add3A_794 : i32 to vector<16xi32>
    %add3A_796 = arith.addi %iota3A, %add3A_795 : vector<16xi32>
    %jit3A_797 = arith.constant 6 : i32
    %div3A_798 = vector.broadcast %jit3A_797 : i32 to vector<16xi32>
    %div3A_799 = arith.divsi %add3A_796, %div3A_798 : vector<16xi32>
    %sign3A_800 = arith.constant 0 : i32
    %sign3A_801 = vector.broadcast %sign3A_800 : i32 to vector<16xi32>
    %sign3A_802 = arith.cmpi sgt, %add3A_796, %sign3A_801 : vector<16xi32>
    %sign3A_803 = arith.extui %sign3A_802 : vector<16xi1> to vector<16xi32>
    %sign3A_804 = arith.constant 0 : i32
    %sign3A_805 = vector.broadcast %sign3A_804 : i32 to vector<16xi32>
    %sign3A_806 = arith.cmpi slt, %add3A_796, %sign3A_805 : vector<16xi32>
    %sign3A_807 = arith.extui %sign3A_806 : vector<16xi1> to vector<16xi32>
    %sign3A_808 = arith.subi %sign3A_803, %sign3A_807 : vector<16xi32>
    %sign3A_809 = arith.constant 0 : i32
    %sign3A_810 = arith.cmpi sgt, %jit3A_797, %sign3A_809 : i32
    %sign3A_811 = arith.extui %sign3A_810 : i1 to i32
    %sign3A_812 = arith.constant 0 : i32
    %sign3A_813 = arith.cmpi slt, %jit3A_797, %sign3A_812 : i32
    %sign3A_814 = arith.extui %sign3A_813 : i1 to i32
    %sign3A_815 = arith.subi %sign3A_811, %sign3A_814 : i32
    %ne3A_816 = vector.broadcast %sign3A_815 : i32 to vector<16xi32>
    %ne3A_817 = arith.cmpi ne, %sign3A_808, %ne3A_816 : vector<16xi32>
    %rem3A_818 = vector.broadcast %jit3A_797 : i32 to vector<16xi32>
    %rem3A_819 = arith.remsi %add3A_796, %rem3A_818 : vector<16xi32>
    %ne3A_820 = arith.constant 0 : i32
    %ne3A_821 = vector.broadcast %ne3A_820 : i32 to vector<16xi32>
    %ne3A_822 = arith.cmpi ne, %rem3A_819, %ne3A_821 : vector<16xi32>
    %and3A_823 = arith.andi %ne3A_817, %ne3A_822 : vector<16xi1>
    %sub3A_824 = arith.constant 1 : i32
    %sub3A_825 = vector.broadcast %sub3A_824 : i32 to vector<16xi32>
    %sub3A_826 = arith.subi %div3A_799, %sub3A_825 : vector<16xi32>
    %select_n3A_827 = arith.select %and3A_823, %sub3A_826, %div3A_799 : vector<16xi1>, vector<16xi32>
    %swap3A_828 = arith.constant 352 : index
    %swap3A_829 = tpu.vector_load %arg8[%swap3A_828] {strides = array<i32>} : memref<384xi32, #tpu.memory_space<vmem>>, vector<16xi32>,
    tpu.vector_store %arg8[%swap3A_828], %select_n3A_827 {strides = array<i32>} : memref<384xi32, #tpu.memory_space<vmem>>, vector<16xi32>,
    %add3A_830 = arith.constant 368 : i32
    %add3A_831 = vector.broadcast %add3A_830 : i32 to vector<16xi32>
    %add3A_832 = arith.addi %iota3A, %add3A_831 : vector<16xi32>
    %jit3A_833 = arith.constant 6 : i32
    %div3A_834 = vector.broadcast %jit3A_833 : i32 to vector<16xi32>
    %div3A_835 = arith.divsi %add3A_832, %div3A_834 : vector<16xi32>
    %sign3A_836 = arith.constant 0 : i32
    %sign3A_837 = vector.broadcast %sign3A_836 : i32 to vector<16xi32>
    %sign3A_838 = arith.cmpi sgt, %add3A_832, %sign3A_837 : vector<16xi32>
    %sign3A_839 = arith.extui %sign3A_838 : vector<16xi1> to vector<16xi32>
    %sign3A_840 = arith.constant 0 : i32
    %sign3A_841 = vector.broadcast %sign3A_840 : i32 to vector<16xi32>
    %sign3A_842 = arith.cmpi slt, %add3A_832, %sign3A_841 : vector<16xi32>
    %sign3A_843 = arith.extui %sign3A_842 : vector<16xi1> to vector<16xi32>
    %sign3A_844 = arith.subi %sign3A_839, %sign3A_843 : vector<16xi32>
    %sign3A_845 = arith.constant 0 : i32
    %sign3A_846 = arith.cmpi sgt, %jit3A_833, %sign3A_845 : i32
    %sign3A_847 = arith.extui %sign3A_846 : i1 to i32
    %sign3A_848 = arith.constant 0 : i32
    %sign3A_849 = arith.cmpi slt, %jit3A_833, %sign3A_848 : i32
    %sign3A_850 = arith.extui %sign3A_849 : i1 to i32
    %sign3A_851 = arith.subi %sign3A_847, %sign3A_850 : i32
    %ne3A_852 = vector.broadcast %sign3A_851 : i32 to vector<16xi32>
    %ne3A_853 = arith.cmpi ne, %sign3A_844, %ne3A_852 : vector<16xi32>
    %rem3A_854 = vector.broadcast %jit3A_833 : i32 to vector<16xi32>
    %rem3A_855 = arith.remsi %add3A_832, %rem3A_854 : vector<16xi32>
    %ne3A_856 = arith.constant 0 : i32
    %ne3A_857 = vector.broadcast %ne3A_856 : i32 to vector<16xi32>
    %ne3A_858 = arith.cmpi ne, %rem3A_855, %ne3A_857 : vector<16xi32>
    %and3A_859 = arith.andi %ne3A_853, %ne3A_858 : vector<16xi1>
    %sub3A_860 = arith.constant 1 : i32
    %sub3A_861 = vector.broadcast %sub3A_860 : i32 to vector<16xi32>
    %sub3A_862 = arith.subi %div3A_835, %sub3A_861 : vector<16xi32>
    %select_n3A_863 = arith.select %and3A_859, %sub3A_862, %div3A_835 : vector<16xi1>, vector<16xi32>
    %swap3A_864 = arith.constant 368 : index
    %swap3A_865 = tpu.vector_load %arg8[%swap3A_864] {strides = array<i32>} : memref<384xi32, #tpu.memory_space<vmem>>, vector<16xi32>,
    tpu.vector_store %arg8[%swap3A_864], %select_n3A_863 {strides = array<i32>} : memref<384xi32, #tpu.memory_space<vmem>>, vector<16xi32>,
    %dma_wait3A = arith.constant 0 : i32
    %dma_wait3A_866 = tpu.memref_slice %arg2[%mul3A_2, %dma_wait3A] : memref<2048x384xi32, #tpu.memory_space<hbm>> -> memref<64x384xi32, #tpu.memory_space<hbm>>
    %dma_wait3A_867 = arith.constant 0 : i32
    %dma_wait3A_868 = tpu.memref_slice %arg2[%mul3A_2, %dma_wait3A_867] : memref<2048x384xi32, #tpu.memory_space<hbm>> -> memref<64x384xi32, #tpu.memory_space<hbm>>
    tpu.wait_dma2 semaphore(%arg12 : memref<!tpu.dma_semaphore, #tpu.memory_space<semaphore_mem>>) src(%dma_wait3A_868 : memref<64x384xi32, #tpu.memory_space<hbm>>) dst(%arg5 : memref<64x384xi32, #tpu.memory_space<vmem>>)
    "tpu.trace_start"() <{level = 10 : i32, message = "compute"}> : () -> ()
    %scan3A = arith.constant 0 : i32
    %scan3A_869 = arith.constant 0 : i32
    %scan3A_870 = arith.constant 64 : i32
    %scan3A_871 = arith.addi %scan3A_869, %scan3A_870 : i32
    %scan3A_872 = arith.constant 1 : i32
    scf.for %scan3A_874 = %scan3A_869 to %scan3A_871 step %scan3A_872  : i32 {
      %swap3A_875 = arith.constant 0 : index
      %swap3A_876 = tpu.vector_load %arg10[%swap3A_875] {strides = array<i32>} : memref<64xi32, #tpu.memory_space<vmem>>, vector<16xi32>,
      tpu.vector_store %arg10[%swap3A_875], %broadcast_in_dim3A_8 {strides = array<i32>} : memref<64xi32, #tpu.memory_space<vmem>>, vector<16xi32>,
      %swap3A_877 = arith.constant 0 : index
      %swap3A_878 = tpu.vector_load %arg11[%swap3A_877] {strides = array<i32>} : memref<64xi32, #tpu.memory_space<vmem>>, vector<16xi32>,
      tpu.vector_store %arg11[%swap3A_877], %broadcast_in_dim3A_8 {strides = array<i32>} : memref<64xi32, #tpu.memory_space<vmem>>, vector<16xi32>,
      %swap3A_879 = arith.constant 16 : index
      %swap3A_880 = tpu.vector_load %arg10[%swap3A_879] {strides = array<i32>} : memref<64xi32, #tpu.memory_space<vmem>>, vector<16xi32>,
      tpu.vector_store %arg10[%swap3A_879], %broadcast_in_dim3A_8 {strides = array<i32>} : memref<64xi32, #tpu.memory_space<vmem>>, vector<16xi32>,
      %swap3A_881 = arith.constant 16 : index
      %swap3A_882 = tpu.vector_load %arg11[%swap3A_881] {strides = array<i32>} : memref<64xi32, #tpu.memory_space<vmem>>, vector<16xi32>,
      tpu.vector_store %arg11[%swap3A_881], %broadcast_in_dim3A_8 {strides = array<i32>} : memref<64xi32, #tpu.memory_space<vmem>>, vector<16xi32>,
      %swap3A_883 = arith.constant 32 : index
      %swap3A_884 = tpu.vector_load %arg10[%swap3A_883] {strides = array<i32>} : memref<64xi32, #tpu.memory_space<vmem>>, vector<16xi32>,
      tpu.vector_store %arg10[%swap3A_883], %broadcast_in_dim3A_8 {strides = array<i32>} : memref<64xi32, #tpu.memory_space<vmem>>, vector<16xi32>,
      %swap3A_885 = arith.constant 32 : index
      %swap3A_886 = tpu.vector_load %arg11[%swap3A_885] {strides = array<i32>} : memref<64xi32, #tpu.memory_space<vmem>>, vector<16xi32>,
      tpu.vector_store %arg11[%swap3A_885], %broadcast_in_dim3A_8 {strides = array<i32>} : memref<64xi32, #tpu.memory_space<vmem>>, vector<16xi32>,
      %swap3A_887 = arith.constant 48 : index
      %swap3A_888 = tpu.vector_load %arg10[%swap3A_887] {strides = array<i32>} : memref<64xi32, #tpu.memory_space<vmem>>, vector<16xi32>,
      tpu.vector_store %arg10[%swap3A_887], %broadcast_in_dim3A_8 {strides = array<i32>} : memref<64xi32, #tpu.memory_space<vmem>>, vector<16xi32>,
      %swap3A_889 = arith.constant 48 : index
      %swap3A_890 = tpu.vector_load %arg11[%swap3A_889] {strides = array<i32>} : memref<64xi32, #tpu.memory_space<vmem>>, vector<16xi32>,
      tpu.vector_store %arg11[%swap3A_889], %broadcast_in_dim3A_8 {strides = array<i32>} : memref<64xi32, #tpu.memory_space<vmem>>, vector<16xi32>,
      %get3A = arith.index_cast %scan3A_874 : i32 to index
      %get3A_891 = arith.constant 0 : index
      %get3A_892 = tpu.vector_load %arg6[%get3A, %get3A_891] {strides = array<i32>} : memref<64x128xi32, #tpu.memory_space<vmem>>, vector<16xi32>,
      %jit3A_893 = arith.constant 1 : i32
      %jit3A_894 = arith.constant 16 : i32
      %broadcast_in_dim3A_895 = vector.broadcast %jit3A_893 : i32 to vector<16xi32>
      %broadcast_in_dim3A_896 = vector.broadcast %jit3A_894 : i32 to vector<16xi32>
      %select_n3A_897 = arith.select %lt3A_7, %broadcast_in_dim3A_895, %broadcast_in_dim3A_896 : vector<16xi1>, vector<16xi32>
      tpu.vector_store_idx %arg10[%get3A_892], %select_n3A_897 {add = true} : memref<64xi32, #tpu.memory_space<vmem>>[vector<16xi32>], vector<16xi32>,
      %get3A_898 = arith.index_cast %scan3A_874 : i32 to index
      %get3A_899 = arith.constant 16 : index
      %get3A_900 = tpu.vector_load %arg6[%get3A_898, %get3A_899] {strides = array<i32>} : memref<64x128xi32, #tpu.memory_space<vmem>>, vector<16xi32>,
      %jit3A_901 = arith.constant 256 : i32
      %jit3A_902 = arith.constant 4096 : i32
      %broadcast_in_dim3A_903 = vector.broadcast %jit3A_901 : i32 to vector<16xi32>
      %broadcast_in_dim3A_904 = vector.broadcast %jit3A_902 : i32 to vector<16xi32>
      %select_n3A_905 = arith.select %lt3A_7, %broadcast_in_dim3A_903, %broadcast_in_dim3A_904 : vector<16xi1>, vector<16xi32>
      tpu.vector_store_idx %arg10[%get3A_900], %select_n3A_905 {add = true} : memref<64xi32, #tpu.memory_space<vmem>>[vector<16xi32>], vector<16xi32>,
      %get3A_906 = arith.index_cast %scan3A_874 : i32 to index
      %get3A_907 = arith.constant 32 : index
      %get3A_908 = tpu.vector_load %arg6[%get3A_906, %get3A_907] {strides = array<i32>} : memref<64x128xi32, #tpu.memory_space<vmem>>, vector<16xi32>,
      %jit3A_909 = arith.constant 65536 : i32
      %jit3A_910 = arith.constant 1048576 : i32
      %broadcast_in_dim3A_911 = vector.broadcast %jit3A_909 : i32 to vector<16xi32>
      %broadcast_in_dim3A_912 = vector.broadcast %jit3A_910 : i32 to vector<16xi32>
      %select_n3A_913 = arith.select %lt3A_7, %broadcast_in_dim3A_911, %broadcast_in_dim3A_912 : vector<16xi1>, vector<16xi32>
      tpu.vector_store_idx %arg10[%get3A_908], %select_n3A_913 {add = true} : memref<64xi32, #tpu.memory_space<vmem>>[vector<16xi32>], vector<16xi32>,
      %get3A_914 = arith.index_cast %scan3A_874 : i32 to index
      %get3A_915 = arith.constant 48 : index
      %get3A_916 = tpu.vector_load %arg6[%get3A_914, %get3A_915] {strides = array<i32>} : memref<64x128xi32, #tpu.memory_space<vmem>>, vector<16xi32>,
      %jit3A_917 = arith.constant 16777216 : i32
      %jit3A_918 = arith.constant 268435456 : i32
      %broadcast_in_dim3A_919 = vector.broadcast %jit3A_917 : i32 to vector<16xi32>
      %broadcast_in_dim3A_920 = vector.broadcast %jit3A_918 : i32 to vector<16xi32>
      %select_n3A_921 = arith.select %lt3A_7, %broadcast_in_dim3A_919, %broadcast_in_dim3A_920 : vector<16xi1>, vector<16xi32>
      tpu.vector_store_idx %arg10[%get3A_916], %select_n3A_921 {add = true} : memref<64xi32, #tpu.memory_space<vmem>>[vector<16xi32>], vector<16xi32>,
      %get3A_922 = arith.index_cast %scan3A_874 : i32 to index
      %get3A_923 = arith.constant 64 : index
      %get3A_924 = tpu.vector_load %arg6[%get3A_922, %get3A_923] {strides = array<i32>} : memref<64x128xi32, #tpu.memory_space<vmem>>, vector<16xi32>,
      %jit3A_925 = arith.constant 1 : i32
      %jit3A_926 = arith.constant 16 : i32
      %broadcast_in_dim3A_927 = vector.broadcast %jit3A_925 : i32 to vector<16xi32>
      %broadcast_in_dim3A_928 = vector.broadcast %jit3A_926 : i32 to vector<16xi32>
      %select_n3A_929 = arith.select %lt3A_7, %broadcast_in_dim3A_927, %broadcast_in_dim3A_928 : vector<16xi1>, vector<16xi32>
      tpu.vector_store_idx %arg11[%get3A_924], %select_n3A_929 {add = true} : memref<64xi32, #tpu.memory_space<vmem>>[vector<16xi32>], vector<16xi32>,
      %get3A_930 = arith.index_cast %scan3A_874 : i32 to index
      %get3A_931 = arith.constant 80 : index
      %get3A_932 = tpu.vector_load %arg6[%get3A_930, %get3A_931] {strides = array<i32>} : memref<64x128xi32, #tpu.memory_space<vmem>>, vector<16xi32>,
      %jit3A_933 = arith.constant 256 : i32
      %jit3A_934 = arith.constant 4096 : i32
      %broadcast_in_dim3A_935 = vector.broadcast %jit3A_933 : i32 to vector<16xi32>
      %broadcast_in_dim3A_936 = vector.broadcast %jit3A_934 : i32 to vector<16xi32>
      %select_n3A_937 = arith.select %lt3A_7, %broadcast_in_dim3A_935, %broadcast_in_dim3A_936 : vector<16xi1>, vector<16xi32>
      tpu.vector_store_idx %arg11[%get3A_932], %select_n3A_937 {add = true} : memref<64xi32, #tpu.memory_space<vmem>>[vector<16xi32>], vector<16xi32>,
      %get3A_938 = arith.index_cast %scan3A_874 : i32 to index
      %get3A_939 = arith.constant 96 : index
      %get3A_940 = tpu.vector_load %arg6[%get3A_938, %get3A_939] {strides = array<i32>} : memref<64x128xi32, #tpu.memory_space<vmem>>, vector<16xi32>,
      %jit3A_941 = arith.constant 65536 : i32
      %jit3A_942 = arith.constant 1048576 : i32
      %broadcast_in_dim3A_943 = vector.broadcast %jit3A_941 : i32 to vector<16xi32>
      %broadcast_in_dim3A_944 = vector.broadcast %jit3A_942 : i32 to vector<16xi32>
      %select_n3A_945 = arith.select %lt3A_7, %broadcast_in_dim3A_943, %broadcast_in_dim3A_944 : vector<16xi1>, vector<16xi32>
      tpu.vector_store_idx %arg11[%get3A_940], %select_n3A_945 {add = true} : memref<64xi32, #tpu.memory_space<vmem>>[vector<16xi32>], vector<16xi32>,
      %get3A_946 = arith.index_cast %scan3A_874 : i32 to index
      %get3A_947 = arith.constant 112 : index
      %get3A_948 = tpu.vector_load %arg6[%get3A_946, %get3A_947] {strides = array<i32>} : memref<64x128xi32, #tpu.memory_space<vmem>>, vector<16xi32>,
      %jit3A_949 = arith.constant 16777216 : i32
      %jit3A_950 = arith.constant 268435456 : i32
      %broadcast_in_dim3A_951 = vector.broadcast %jit3A_949 : i32 to vector<16xi32>
      %broadcast_in_dim3A_952 = vector.broadcast %jit3A_950 : i32 to vector<16xi32>
      %select_n3A_953 = arith.select %lt3A_7, %broadcast_in_dim3A_951, %broadcast_in_dim3A_952 : vector<16xi1>, vector<16xi32>
      tpu.vector_store_idx %arg11[%get3A_948], %select_n3A_953 {add = true} : memref<64xi32, #tpu.memory_space<vmem>>[vector<16xi32>], vector<16xi32>,
      %get3A_954 = arith.constant 0 : index
      %get3A_955 = tpu.vector_load %arg10[%get3A_954] {strides = array<i32>} : memref<64xi32, #tpu.memory_space<vmem>>, vector<16xi32>,
      %get3A_956 = arith.constant 0 : index
      %get3A_957 = tpu.vector_load %arg11[%get3A_956] {strides = array<i32>} : memref<64xi32, #tpu.memory_space<vmem>>, vector<16xi32>,
      %shift_right_logical3A = arith.constant 1 : i32
      %shift_right_logical3A_958 = vector.broadcast %shift_right_logical3A : i32 to vector<16xi32>
      %shift_right_logical3A_959 = arith.shrui %get3A_955, %shift_right_logical3A_958 : vector<16xi32>
      %or3A = arith.ori %get3A_955, %shift_right_logical3A_959 : vector<16xi32>
      %shift_right_logical3A_960 = arith.constant 2 : i32
      %shift_right_logical3A_961 = vector.broadcast %shift_right_logical3A_960 : i32 to vector<16xi32>
      %shift_right_logical3A_962 = arith.shrui %or3A, %shift_right_logical3A_961 : vector<16xi32>
      %or3A_963 = arith.ori %or3A, %shift_right_logical3A_962 : vector<16xi32>
      %and3A_964 = arith.andi %or3A_963, %broadcast_in_dim3A_10 : vector<16xi32>
      %shift_right_logical3A_965 = arith.constant 1 : i32
      %shift_right_logical3A_966 = vector.broadcast %shift_right_logical3A_965 : i32 to vector<16xi32>
      %shift_right_logical3A_967 = arith.shrui %get3A_957, %shift_right_logical3A_966 : vector<16xi32>
      %or3A_968 = arith.ori %get3A_957, %shift_right_logical3A_967 : vector<16xi32>
      %shift_right_logical3A_969 = arith.constant 2 : i32
      %shift_right_logical3A_970 = vector.broadcast %shift_right_logical3A_969 : i32 to vector<16xi32>
      %shift_right_logical3A_971 = arith.shrui %or3A_968, %shift_right_logical3A_970 : vector<16xi32>
      %or3A_972 = arith.ori %or3A_968, %shift_right_logical3A_971 : vector<16xi32>
      %and3A_973 = arith.andi %or3A_972, %broadcast_in_dim3A_10 : vector<16xi32>
      %shift_left3A = arith.constant 1 : i32
      %shift_left3A_974 = vector.broadcast %shift_left3A : i32 to vector<16xi32>
      %shift_left3A_975 = arith.shli %and3A_973, %shift_left3A_974 : vector<16xi32>
      %or3A_976 = arith.ori %and3A_964, %shift_left3A_975 : vector<16xi32>
      %swap3A_977 = arith.constant 0 : index
      %swap3A_978 = tpu.vector_load %arg9[%swap3A_977] {strides = array<i32>} : memref<64xi32, #tpu.memory_space<vmem>>, vector<16xi32>,
      tpu.vector_store %arg9[%swap3A_977], %or3A_976 {strides = array<i32>} : memref<64xi32, #tpu.memory_space<vmem>>, vector<16xi32>,
      %get3A_979 = arith.constant 16 : index
      %get3A_980 = tpu.vector_load %arg10[%get3A_979] {strides = array<i32>} : memref<64xi32, #tpu.memory_space<vmem>>, vector<16xi32>,
      %get3A_981 = arith.constant 16 : index
      %get3A_982 = tpu.vector_load %arg11[%get3A_981] {strides = array<i32>} : memref<64xi32, #tpu.memory_space<vmem>>, vector<16xi32>,
      %shift_right_logical3A_983 = arith.constant 1 : i32
      %shift_right_logical3A_984 = vector.broadcast %shift_right_logical3A_983 : i32 to vector<16xi32>
      %shift_right_logical3A_985 = arith.shrui %get3A_980, %shift_right_logical3A_984 : vector<16xi32>
      %or3A_986 = arith.ori %get3A_980, %shift_right_logical3A_985 : vector<16xi32>
      %shift_right_logical3A_987 = arith.constant 2 : i32
      %shift_right_logical3A_988 = vector.broadcast %shift_right_logical3A_987 : i32 to vector<16xi32>
      %shift_right_logical3A_989 = arith.shrui %or3A_986, %shift_right_logical3A_988 : vector<16xi32>
      %or3A_990 = arith.ori %or3A_986, %shift_right_logical3A_989 : vector<16xi32>
      %and3A_991 = arith.andi %or3A_990, %broadcast_in_dim3A_10 : vector<16xi32>
      %shift_right_logical3A_992 = arith.constant 1 : i32
      %shift_right_logical3A_993 = vector.broadcast %shift_right_logical3A_992 : i32 to vector<16xi32>
      %shift_right_logical3A_994 = arith.shrui %get3A_982, %shift_right_logical3A_993 : vector<16xi32>
      %or3A_995 = arith.ori %get3A_982, %shift_right_logical3A_994 : vector<16xi32>
      %shift_right_logical3A_996 = arith.constant 2 : i32
      %shift_right_logical3A_997 = vector.broadcast %shift_right_logical3A_996 : i32 to vector<16xi32>
      %shift_right_logical3A_998 = arith.shrui %or3A_995, %shift_right_logical3A_997 : vector<16xi32>
      %or3A_999 = arith.ori %or3A_995, %shift_right_logical3A_998 : vector<16xi32>
      %and3A_1000 = arith.andi %or3A_999, %broadcast_in_dim3A_10 : vector<16xi32>
      %shift_left3A_1001 = arith.constant 1 : i32
      %shift_left3A_1002 = vector.broadcast %shift_left3A_1001 : i32 to vector<16xi32>
      %shift_left3A_1003 = arith.shli %and3A_1000, %shift_left3A_1002 : vector<16xi32>
      %or3A_1004 = arith.ori %and3A_991, %shift_left3A_1003 : vector<16xi32>
      %swap3A_1005 = arith.constant 16 : index
      %swap3A_1006 = tpu.vector_load %arg9[%swap3A_1005] {strides = array<i32>} : memref<64xi32, #tpu.memory_space<vmem>>, vector<16xi32>,
      tpu.vector_store %arg9[%swap3A_1005], %or3A_1004 {strides = array<i32>} : memref<64xi32, #tpu.memory_space<vmem>>, vector<16xi32>,
      %get3A_1007 = arith.constant 32 : index
      %get3A_1008 = tpu.vector_load %arg10[%get3A_1007] {strides = array<i32>} : memref<64xi32, #tpu.memory_space<vmem>>, vector<16xi32>,
      %get3A_1009 = arith.constant 32 : index
      %get3A_1010 = tpu.vector_load %arg11[%get3A_1009] {strides = array<i32>} : memref<64xi32, #tpu.memory_space<vmem>>, vector<16xi32>,
      %shift_right_logical3A_1011 = arith.constant 1 : i32
      %shift_right_logical3A_1012 = vector.broadcast %shift_right_logical3A_1011 : i32 to vector<16xi32>
      %shift_right_logical3A_1013 = arith.shrui %get3A_1008, %shift_right_logical3A_1012 : vector<16xi32>
      %or3A_1014 = arith.ori %get3A_1008, %shift_right_logical3A_1013 : vector<16xi32>
      %shift_right_logical3A_1015 = arith.constant 2 : i32
      %shift_right_logical3A_1016 = vector.broadcast %shift_right_logical3A_1015 : i32 to vector<16xi32>
      %shift_right_logical3A_1017 = arith.shrui %or3A_1014, %shift_right_logical3A_1016 : vector<16xi32>
      %or3A_1018 = arith.ori %or3A_1014, %shift_right_logical3A_1017 : vector<16xi32>
      %and3A_1019 = arith.andi %or3A_1018, %broadcast_in_dim3A_10 : vector<16xi32>
      %shift_right_logical3A_1020 = arith.constant 1 : i32
      %shift_right_logical3A_1021 = vector.broadcast %shift_right_logical3A_1020 : i32 to vector<16xi32>
      %shift_right_logical3A_1022 = arith.shrui %get3A_1010, %shift_right_logical3A_1021 : vector<16xi32>
      %or3A_1023 = arith.ori %get3A_1010, %shift_right_logical3A_1022 : vector<16xi32>
      %shift_right_logical3A_1024 = arith.constant 2 : i32
      %shift_right_logical3A_1025 = vector.broadcast %shift_right_logical3A_1024 : i32 to vector<16xi32>
      %shift_right_logical3A_1026 = arith.shrui %or3A_1023, %shift_right_logical3A_1025 : vector<16xi32>
      %or3A_1027 = arith.ori %or3A_1023, %shift_right_logical3A_1026 : vector<16xi32>
      %and3A_1028 = arith.andi %or3A_1027, %broadcast_in_dim3A_10 : vector<16xi32>
      %shift_left3A_1029 = arith.constant 1 : i32
      %shift_left3A_1030 = vector.broadcast %shift_left3A_1029 : i32 to vector<16xi32>
      %shift_left3A_1031 = arith.shli %and3A_1028, %shift_left3A_1030 : vector<16xi32>
      %or3A_1032 = arith.ori %and3A_1019, %shift_left3A_1031 : vector<16xi32>
      %swap3A_1033 = arith.constant 32 : index
      %swap3A_1034 = tpu.vector_load %arg9[%swap3A_1033] {strides = array<i32>} : memref<64xi32, #tpu.memory_space<vmem>>, vector<16xi32>,
      tpu.vector_store %arg9[%swap3A_1033], %or3A_1032 {strides = array<i32>} : memref<64xi32, #tpu.memory_space<vmem>>, vector<16xi32>,
      %get3A_1035 = arith.constant 48 : index
      %get3A_1036 = tpu.vector_load %arg10[%get3A_1035] {strides = array<i32>} : memref<64xi32, #tpu.memory_space<vmem>>, vector<16xi32>,
      %get3A_1037 = arith.constant 48 : index
      %get3A_1038 = tpu.vector_load %arg11[%get3A_1037] {strides = array<i32>} : memref<64xi32, #tpu.memory_space<vmem>>, vector<16xi32>,
      %shift_right_logical3A_1039 = arith.constant 1 : i32
      %shift_right_logical3A_1040 = vector.broadcast %shift_right_logical3A_1039 : i32 to vector<16xi32>
      %shift_right_logical3A_1041 = arith.shrui %get3A_1036, %shift_right_logical3A_1040 : vector<16xi32>
      %or3A_1042 = arith.ori %get3A_1036, %shift_right_logical3A_1041 : vector<16xi32>
      %shift_right_logical3A_1043 = arith.constant 2 : i32
      %shift_right_logical3A_1044 = vector.broadcast %shift_right_logical3A_1043 : i32 to vector<16xi32>
      %shift_right_logical3A_1045 = arith.shrui %or3A_1042, %shift_right_logical3A_1044 : vector<16xi32>
      %or3A_1046 = arith.ori %or3A_1042, %shift_right_logical3A_1045 : vector<16xi32>
      %and3A_1047 = arith.andi %or3A_1046, %broadcast_in_dim3A_10 : vector<16xi32>
      %shift_right_logical3A_1048 = arith.constant 1 : i32
      %shift_right_logical3A_1049 = vector.broadcast %shift_right_logical3A_1048 : i32 to vector<16xi32>
      %shift_right_logical3A_1050 = arith.shrui %get3A_1038, %shift_right_logical3A_1049 : vector<16xi32>
      %or3A_1051 = arith.ori %get3A_1038, %shift_right_logical3A_1050 : vector<16xi32>
      %shift_right_logical3A_1052 = arith.constant 2 : i32
      %shift_right_logical3A_1053 = vector.broadcast %shift_right_logical3A_1052 : i32 to vector<16xi32>
      %shift_right_logical3A_1054 = arith.shrui %or3A_1051, %shift_right_logical3A_1053 : vector<16xi32>
      %or3A_1055 = arith.ori %or3A_1051, %shift_right_logical3A_1054 : vector<16xi32>
      %and3A_1056 = arith.andi %or3A_1055, %broadcast_in_dim3A_10 : vector<16xi32>
      %shift_left3A_1057 = arith.constant 1 : i32
      %shift_left3A_1058 = vector.broadcast %shift_left3A_1057 : i32 to vector<16xi32>
      %shift_left3A_1059 = arith.shli %and3A_1056, %shift_left3A_1058 : vector<16xi32>
      %or3A_1060 = arith.ori %and3A_1047, %shift_left3A_1059 : vector<16xi32>
      %swap3A_1061 = arith.constant 48 : index
      %swap3A_1062 = tpu.vector_load %arg9[%swap3A_1061] {strides = array<i32>} : memref<64xi32, #tpu.memory_space<vmem>>, vector<16xi32>,
      tpu.vector_store %arg9[%swap3A_1061], %or3A_1060 {strides = array<i32>} : memref<64xi32, #tpu.memory_space<vmem>>, vector<16xi32>,
      %get3A_1063 = arith.index_cast %scan3A_874 : i32 to index
      %get3A_1064 = arith.constant 0 : index
      %get3A_1065 = tpu.vector_load %arg5[%get3A_1063, %get3A_1064] {strides = array<i32>} : memref<64x384xi32, #tpu.memory_space<vmem>>, vector<16xi32>,
      %get3A_1066 = arith.constant 0 : index
      %get3A_1067 = tpu.vector_load %arg8[%get3A_1066] {strides = array<i32>} : memref<384xi32, #tpu.memory_space<vmem>>, vector<16xi32>,
      %gather3A = tpu.vector_load_idx %arg9[%get3A_1065] : memref<64xi32, #tpu.memory_space<vmem>>[vector<16xi32>], vector<16xi32>,
      %gather3A_1068 = tpu.vector_load_idx %arg9[%get3A_1067] : memref<64xi32, #tpu.memory_space<vmem>>[vector<16xi32>], vector<16xi32>,
      %and3A_1069 = arith.andi %gather3A, %gather3A_1068 : vector<16xi32>
      %ne3A_1070 = arith.constant 0 : i32
      %ne3A_1071 = vector.broadcast %ne3A_1070 : i32 to vector<16xi32>
      %ne3A_1072 = arith.cmpi ne, %and3A_1069, %ne3A_1071 : vector<16xi32>
      %jit3A_1073 = arith.constant 1.000000e+00 : f32
      %jit3A_1074 = arith.constant 0.000000e+00 : f32
      %broadcast_in_dim3A_1075 = vector.broadcast %jit3A_1073 : f32 to vector<16xf32>
      %broadcast_in_dim3A_1076 = vector.broadcast %jit3A_1074 : f32 to vector<16xf32>
      %select_n3A_1077 = arith.select %ne3A_1072, %broadcast_in_dim3A_1075, %broadcast_in_dim3A_1076 : vector<16xi1>, vector<16xf32>
      %get3A_1078 = arith.index_cast %scan3A_874 : i32 to index
      %get3A_1079 = arith.constant 16 : index
      %get3A_1080 = tpu.vector_load %arg5[%get3A_1078, %get3A_1079] {strides = array<i32>} : memref<64x384xi32, #tpu.memory_space<vmem>>, vector<16xi32>,
      %get3A_1081 = arith.constant 16 : index
      %get3A_1082 = tpu.vector_load %arg8[%get3A_1081] {strides = array<i32>} : memref<384xi32, #tpu.memory_space<vmem>>, vector<16xi32>,
      %gather3A_1083 = tpu.vector_load_idx %arg9[%get3A_1080] : memref<64xi32, #tpu.memory_space<vmem>>[vector<16xi32>], vector<16xi32>,
      %gather3A_1084 = tpu.vector_load_idx %arg9[%get3A_1082] : memref<64xi32, #tpu.memory_space<vmem>>[vector<16xi32>], vector<16xi32>,
      %and3A_1085 = arith.andi %gather3A_1083, %gather3A_1084 : vector<16xi32>
      %ne3A_1086 = arith.constant 0 : i32
      %ne3A_1087 = vector.broadcast %ne3A_1086 : i32 to vector<16xi32>
      %ne3A_1088 = arith.cmpi ne, %and3A_1085, %ne3A_1087 : vector<16xi32>
      %jit3A_1089 = arith.constant 1.000000e+00 : f32
      %jit3A_1090 = arith.constant 0.000000e+00 : f32
      %broadcast_in_dim3A_1091 = vector.broadcast %jit3A_1089 : f32 to vector<16xf32>
      %broadcast_in_dim3A_1092 = vector.broadcast %jit3A_1090 : f32 to vector<16xf32>
      %select_n3A_1093 = arith.select %ne3A_1088, %broadcast_in_dim3A_1091, %broadcast_in_dim3A_1092 : vector<16xi1>, vector<16xf32>
      %get3A_1094 = arith.index_cast %scan3A_874 : i32 to index
      %get3A_1095 = arith.constant 32 : index
      %get3A_1096 = tpu.vector_load %arg5[%get3A_1094, %get3A_1095] {strides = array<i32>} : memref<64x384xi32, #tpu.memory_space<vmem>>, vector<16xi32>,
      %get3A_1097 = arith.constant 32 : index
      %get3A_1098 = tpu.vector_load %arg8[%get3A_1097] {strides = array<i32>} : memref<384xi32, #tpu.memory_space<vmem>>, vector<16xi32>,
      %gather3A_1099 = tpu.vector_load_idx %arg9[%get3A_1096] : memref<64xi32, #tpu.memory_space<vmem>>[vector<16xi32>], vector<16xi32>,
      %gather3A_1100 = tpu.vector_load_idx %arg9[%get3A_1098] : memref<64xi32, #tpu.memory_space<vmem>>[vector<16xi32>], vector<16xi32>,
      %and3A_1101 = arith.andi %gather3A_1099, %gather3A_1100 : vector<16xi32>
      %ne3A_1102 = arith.constant 0 : i32
      %ne3A_1103 = vector.broadcast %ne3A_1102 : i32 to vector<16xi32>
      %ne3A_1104 = arith.cmpi ne, %and3A_1101, %ne3A_1103 : vector<16xi32>
      %jit3A_1105 = arith.constant 1.000000e+00 : f32
      %jit3A_1106 = arith.constant 0.000000e+00 : f32
      %broadcast_in_dim3A_1107 = vector.broadcast %jit3A_1105 : f32 to vector<16xf32>
      %broadcast_in_dim3A_1108 = vector.broadcast %jit3A_1106 : f32 to vector<16xf32>
      %select_n3A_1109 = arith.select %ne3A_1104, %broadcast_in_dim3A_1107, %broadcast_in_dim3A_1108 : vector<16xi1>, vector<16xf32>
      %get3A_1110 = arith.index_cast %scan3A_874 : i32 to index
      %get3A_1111 = arith.constant 48 : index
      %get3A_1112 = tpu.vector_load %arg5[%get3A_1110, %get3A_1111] {strides = array<i32>} : memref<64x384xi32, #tpu.memory_space<vmem>>, vector<16xi32>,
      %get3A_1113 = arith.constant 48 : index
      %get3A_1114 = tpu.vector_load %arg8[%get3A_1113] {strides = array<i32>} : memref<384xi32, #tpu.memory_space<vmem>>, vector<16xi32>,
      %gather3A_1115 = tpu.vector_load_idx %arg9[%get3A_1112] : memref<64xi32, #tpu.memory_space<vmem>>[vector<16xi32>], vector<16xi32>,
      %gather3A_1116 = tpu.vector_load_idx %arg9[%get3A_1114] : memref<64xi32, #tpu.memory_space<vmem>>[vector<16xi32>], vector<16xi32>,
      %and3A_1117 = arith.andi %gather3A_1115, %gather3A_1116 : vector<16xi32>
      %ne3A_1118 = arith.constant 0 : i32
      %ne3A_1119 = vector.broadcast %ne3A_1118 : i32 to vector<16xi32>
      %ne3A_1120 = arith.cmpi ne, %and3A_1117, %ne3A_1119 : vector<16xi32>
      %jit3A_1121 = arith.constant 1.000000e+00 : f32
      %jit3A_1122 = arith.constant 0.000000e+00 : f32
      %broadcast_in_dim3A_1123 = vector.broadcast %jit3A_1121 : f32 to vector<16xf32>
      %broadcast_in_dim3A_1124 = vector.broadcast %jit3A_1122 : f32 to vector<16xf32>
      %select_n3A_1125 = arith.select %ne3A_1120, %broadcast_in_dim3A_1123, %broadcast_in_dim3A_1124 : vector<16xi1>, vector<16xf32>
      %get3A_1126 = arith.index_cast %scan3A_874 : i32 to index
      %get3A_1127 = arith.constant 64 : index
      %get3A_1128 = tpu.vector_load %arg5[%get3A_1126, %get3A_1127] {strides = array<i32>} : memref<64x384xi32, #tpu.memory_space<vmem>>, vector<16xi32>,
      %get3A_1129 = arith.constant 64 : index
      %get3A_1130 = tpu.vector_load %arg8[%get3A_1129] {strides = array<i32>} : memref<384xi32, #tpu.memory_space<vmem>>, vector<16xi32>,
      %gather3A_1131 = tpu.vector_load_idx %arg9[%get3A_1128] : memref<64xi32, #tpu.memory_space<vmem>>[vector<16xi32>], vector<16xi32>,
      %gather3A_1132 = tpu.vector_load_idx %arg9[%get3A_1130] : memref<64xi32, #tpu.memory_space<vmem>>[vector<16xi32>], vector<16xi32>,
      %and3A_1133 = arith.andi %gather3A_1131, %gather3A_1132 : vector<16xi32>
      %ne3A_1134 = arith.constant 0 : i32
      %ne3A_1135 = vector.broadcast %ne3A_1134 : i32 to vector<16xi32>
      %ne3A_1136 = arith.cmpi ne, %and3A_1133, %ne3A_1135 : vector<16xi32>
      %jit3A_1137 = arith.constant 1.000000e+00 : f32
      %jit3A_1138 = arith.constant 0.000000e+00 : f32
      %broadcast_in_dim3A_1139 = vector.broadcast %jit3A_1137 : f32 to vector<16xf32>
      %broadcast_in_dim3A_1140 = vector.broadcast %jit3A_1138 : f32 to vector<16xf32>
      %select_n3A_1141 = arith.select %ne3A_1136, %broadcast_in_dim3A_1139, %broadcast_in_dim3A_1140 : vector<16xi1>, vector<16xf32>
      %get3A_1142 = arith.index_cast %scan3A_874 : i32 to index
      %get3A_1143 = arith.constant 80 : index
      %get3A_1144 = tpu.vector_load %arg5[%get3A_1142, %get3A_1143] {strides = array<i32>} : memref<64x384xi32, #tpu.memory_space<vmem>>, vector<16xi32>,
      %get3A_1145 = arith.constant 80 : index
      %get3A_1146 = tpu.vector_load %arg8[%get3A_1145] {strides = array<i32>} : memref<384xi32, #tpu.memory_space<vmem>>, vector<16xi32>,
      %gather3A_1147 = tpu.vector_load_idx %arg9[%get3A_1144] : memref<64xi32, #tpu.memory_space<vmem>>[vector<16xi32>], vector<16xi32>,
      %gather3A_1148 = tpu.vector_load_idx %arg9[%get3A_1146] : memref<64xi32, #tpu.memory_space<vmem>>[vector<16xi32>], vector<16xi32>,
      %and3A_1149 = arith.andi %gather3A_1147, %gather3A_1148 : vector<16xi32>
      %ne3A_1150 = arith.constant 0 : i32
      %ne3A_1151 = vector.broadcast %ne3A_1150 : i32 to vector<16xi32>
      %ne3A_1152 = arith.cmpi ne, %and3A_1149, %ne3A_1151 : vector<16xi32>
      %jit3A_1153 = arith.constant 1.000000e+00 : f32
      %jit3A_1154 = arith.constant 0.000000e+00 : f32
      %broadcast_in_dim3A_1155 = vector.broadcast %jit3A_1153 : f32 to vector<16xf32>
      %broadcast_in_dim3A_1156 = vector.broadcast %jit3A_1154 : f32 to vector<16xf32>
      %select_n3A_1157 = arith.select %ne3A_1152, %broadcast_in_dim3A_1155, %broadcast_in_dim3A_1156 : vector<16xi1>, vector<16xf32>
      %get3A_1158 = arith.index_cast %scan3A_874 : i32 to index
      %get3A_1159 = arith.constant 96 : index
      %get3A_1160 = tpu.vector_load %arg5[%get3A_1158, %get3A_1159] {strides = array<i32>} : memref<64x384xi32, #tpu.memory_space<vmem>>, vector<16xi32>,
      %get3A_1161 = arith.constant 96 : index
      %get3A_1162 = tpu.vector_load %arg8[%get3A_1161] {strides = array<i32>} : memref<384xi32, #tpu.memory_space<vmem>>, vector<16xi32>,
      %gather3A_1163 = tpu.vector_load_idx %arg9[%get3A_1160] : memref<64xi32, #tpu.memory_space<vmem>>[vector<16xi32>], vector<16xi32>,
      %gather3A_1164 = tpu.vector_load_idx %arg9[%get3A_1162] : memref<64xi32, #tpu.memory_space<vmem>>[vector<16xi32>], vector<16xi32>,
      %and3A_1165 = arith.andi %gather3A_1163, %gather3A_1164 : vector<16xi32>
      %ne3A_1166 = arith.constant 0 : i32
      %ne3A_1167 = vector.broadcast %ne3A_1166 : i32 to vector<16xi32>
      %ne3A_1168 = arith.cmpi ne, %and3A_1165, %ne3A_1167 : vector<16xi32>
      %jit3A_1169 = arith.constant 1.000000e+00 : f32
      %jit3A_1170 = arith.constant 0.000000e+00 : f32
      %broadcast_in_dim3A_1171 = vector.broadcast %jit3A_1169 : f32 to vector<16xf32>
      %broadcast_in_dim3A_1172 = vector.broadcast %jit3A_1170 : f32 to vector<16xf32>
      %select_n3A_1173 = arith.select %ne3A_1168, %broadcast_in_dim3A_1171, %broadcast_in_dim3A_1172 : vector<16xi1>, vector<16xf32>
      %get3A_1174 = arith.index_cast %scan3A_874 : i32 to index
      %get3A_1175 = arith.constant 112 : index
      %get3A_1176 = tpu.vector_load %arg5[%get3A_1174, %get3A_1175] {strides = array<i32>} : memref<64x384xi32, #tpu.memory_space<vmem>>, vector<16xi32>,
      %get3A_1177 = arith.constant 112 : index
      %get3A_1178 = tpu.vector_load %arg8[%get3A_1177] {strides = array<i32>} : memref<384xi32, #tpu.memory_space<vmem>>, vector<16xi32>,
      %gather3A_1179 = tpu.vector_load_idx %arg9[%get3A_1176] : memref<64xi32, #tpu.memory_space<vmem>>[vector<16xi32>], vector<16xi32>,
      %gather3A_1180 = tpu.vector_load_idx %arg9[%get3A_1178] : memref<64xi32, #tpu.memory_space<vmem>>[vector<16xi32>], vector<16xi32>,
      %and3A_1181 = arith.andi %gather3A_1179, %gather3A_1180 : vector<16xi32>
      %ne3A_1182 = arith.constant 0 : i32
      %ne3A_1183 = vector.broadcast %ne3A_1182 : i32 to vector<16xi32>
      %ne3A_1184 = arith.cmpi ne, %and3A_1181, %ne3A_1183 : vector<16xi32>
      %jit3A_1185 = arith.constant 1.000000e+00 : f32
      %jit3A_1186 = arith.constant 0.000000e+00 : f32
      %broadcast_in_dim3A_1187 = vector.broadcast %jit3A_1185 : f32 to vector<16xf32>
      %broadcast_in_dim3A_1188 = vector.broadcast %jit3A_1186 : f32 to vector<16xf32>
      %select_n3A_1189 = arith.select %ne3A_1184, %broadcast_in_dim3A_1187, %broadcast_in_dim3A_1188 : vector<16xi1>, vector<16xf32>
      %get3A_1190 = arith.index_cast %scan3A_874 : i32 to index
      %get3A_1191 = arith.constant 128 : index
      %get3A_1192 = tpu.vector_load %arg5[%get3A_1190, %get3A_1191] {strides = array<i32>} : memref<64x384xi32, #tpu.memory_space<vmem>>, vector<16xi32>,
      %get3A_1193 = arith.constant 128 : index
      %get3A_1194 = tpu.vector_load %arg8[%get3A_1193] {strides = array<i32>} : memref<384xi32, #tpu.memory_space<vmem>>, vector<16xi32>,
      %gather3A_1195 = tpu.vector_load_idx %arg9[%get3A_1192] : memref<64xi32, #tpu.memory_space<vmem>>[vector<16xi32>], vector<16xi32>,
      %gather3A_1196 = tpu.vector_load_idx %arg9[%get3A_1194] : memref<64xi32, #tpu.memory_space<vmem>>[vector<16xi32>], vector<16xi32>,
      %and3A_1197 = arith.andi %gather3A_1195, %gather3A_1196 : vector<16xi32>
      %ne3A_1198 = arith.constant 0 : i32
      %ne3A_1199 = vector.broadcast %ne3A_1198 : i32 to vector<16xi32>
      %ne3A_1200 = arith.cmpi ne, %and3A_1197, %ne3A_1199 : vector<16xi32>
      %jit3A_1201 = arith.constant 1.000000e+00 : f32
      %jit3A_1202 = arith.constant 0.000000e+00 : f32
      %broadcast_in_dim3A_1203 = vector.broadcast %jit3A_1201 : f32 to vector<16xf32>
      %broadcast_in_dim3A_1204 = vector.broadcast %jit3A_1202 : f32 to vector<16xf32>
      %select_n3A_1205 = arith.select %ne3A_1200, %broadcast_in_dim3A_1203, %broadcast_in_dim3A_1204 : vector<16xi1>, vector<16xf32>
      %get3A_1206 = arith.index_cast %scan3A_874 : i32 to index
      %get3A_1207 = arith.constant 144 : index
      %get3A_1208 = tpu.vector_load %arg5[%get3A_1206, %get3A_1207] {strides = array<i32>} : memref<64x384xi32, #tpu.memory_space<vmem>>, vector<16xi32>,
      %get3A_1209 = arith.constant 144 : index
      %get3A_1210 = tpu.vector_load %arg8[%get3A_1209] {strides = array<i32>} : memref<384xi32, #tpu.memory_space<vmem>>, vector<16xi32>,
      %gather3A_1211 = tpu.vector_load_idx %arg9[%get3A_1208] : memref<64xi32, #tpu.memory_space<vmem>>[vector<16xi32>], vector<16xi32>,
      %gather3A_1212 = tpu.vector_load_idx %arg9[%get3A_1210] : memref<64xi32, #tpu.memory_space<vmem>>[vector<16xi32>], vector<16xi32>,
      %and3A_1213 = arith.andi %gather3A_1211, %gather3A_1212 : vector<16xi32>
      %ne3A_1214 = arith.constant 0 : i32
      %ne3A_1215 = vector.broadcast %ne3A_1214 : i32 to vector<16xi32>
      %ne3A_1216 = arith.cmpi ne, %and3A_1213, %ne3A_1215 : vector<16xi32>
      %jit3A_1217 = arith.constant 1.000000e+00 : f32
      %jit3A_1218 = arith.constant 0.000000e+00 : f32
      %broadcast_in_dim3A_1219 = vector.broadcast %jit3A_1217 : f32 to vector<16xf32>
      %broadcast_in_dim3A_1220 = vector.broadcast %jit3A_1218 : f32 to vector<16xf32>
      %select_n3A_1221 = arith.select %ne3A_1216, %broadcast_in_dim3A_1219, %broadcast_in_dim3A_1220 : vector<16xi1>, vector<16xf32>
      %get3A_1222 = arith.index_cast %scan3A_874 : i32 to index
      %get3A_1223 = arith.constant 160 : index
      %get3A_1224 = tpu.vector_load %arg5[%get3A_1222, %get3A_1223] {strides = array<i32>} : memref<64x384xi32, #tpu.memory_space<vmem>>, vector<16xi32>,
      %get3A_1225 = arith.constant 160 : index
      %get3A_1226 = tpu.vector_load %arg8[%get3A_1225] {strides = array<i32>} : memref<384xi32, #tpu.memory_space<vmem>>, vector<16xi32>,
      %gather3A_1227 = tpu.vector_load_idx %arg9[%get3A_1224] : memref<64xi32, #tpu.memory_space<vmem>>[vector<16xi32>], vector<16xi32>,
      %gather3A_1228 = tpu.vector_load_idx %arg9[%get3A_1226] : memref<64xi32, #tpu.memory_space<vmem>>[vector<16xi32>], vector<16xi32>,
      %and3A_1229 = arith.andi %gather3A_1227, %gather3A_1228 : vector<16xi32>
      %ne3A_1230 = arith.constant 0 : i32
      %ne3A_1231 = vector.broadcast %ne3A_1230 : i32 to vector<16xi32>
      %ne3A_1232 = arith.cmpi ne, %and3A_1229, %ne3A_1231 : vector<16xi32>
      %jit3A_1233 = arith.constant 1.000000e+00 : f32
      %jit3A_1234 = arith.constant 0.000000e+00 : f32
      %broadcast_in_dim3A_1235 = vector.broadcast %jit3A_1233 : f32 to vector<16xf32>
      %broadcast_in_dim3A_1236 = vector.broadcast %jit3A_1234 : f32 to vector<16xf32>
      %select_n3A_1237 = arith.select %ne3A_1232, %broadcast_in_dim3A_1235, %broadcast_in_dim3A_1236 : vector<16xi1>, vector<16xf32>
      %get3A_1238 = arith.index_cast %scan3A_874 : i32 to index
      %get3A_1239 = arith.constant 176 : index
      %get3A_1240 = tpu.vector_load %arg5[%get3A_1238, %get3A_1239] {strides = array<i32>} : memref<64x384xi32, #tpu.memory_space<vmem>>, vector<16xi32>,
      %get3A_1241 = arith.constant 176 : index
      %get3A_1242 = tpu.vector_load %arg8[%get3A_1241] {strides = array<i32>} : memref<384xi32, #tpu.memory_space<vmem>>, vector<16xi32>,
      %gather3A_1243 = tpu.vector_load_idx %arg9[%get3A_1240] : memref<64xi32, #tpu.memory_space<vmem>>[vector<16xi32>], vector<16xi32>,
      %gather3A_1244 = tpu.vector_load_idx %arg9[%get3A_1242] : memref<64xi32, #tpu.memory_space<vmem>>[vector<16xi32>], vector<16xi32>,
      %and3A_1245 = arith.andi %gather3A_1243, %gather3A_1244 : vector<16xi32>
      %ne3A_1246 = arith.constant 0 : i32
      %ne3A_1247 = vector.broadcast %ne3A_1246 : i32 to vector<16xi32>
      %ne3A_1248 = arith.cmpi ne, %and3A_1245, %ne3A_1247 : vector<16xi32>
      %jit3A_1249 = arith.constant 1.000000e+00 : f32
      %jit3A_1250 = arith.constant 0.000000e+00 : f32
      %broadcast_in_dim3A_1251 = vector.broadcast %jit3A_1249 : f32 to vector<16xf32>
      %broadcast_in_dim3A_1252 = vector.broadcast %jit3A_1250 : f32 to vector<16xf32>
      %select_n3A_1253 = arith.select %ne3A_1248, %broadcast_in_dim3A_1251, %broadcast_in_dim3A_1252 : vector<16xi1>, vector<16xf32>
      %get3A_1254 = arith.index_cast %scan3A_874 : i32 to index
      %get3A_1255 = arith.constant 192 : index
      %get3A_1256 = tpu.vector_load %arg5[%get3A_1254, %get3A_1255] {strides = array<i32>} : memref<64x384xi32, #tpu.memory_space<vmem>>, vector<16xi32>,
      %get3A_1257 = arith.constant 192 : index
      %get3A_1258 = tpu.vector_load %arg8[%get3A_1257] {strides = array<i32>} : memref<384xi32, #tpu.memory_space<vmem>>, vector<16xi32>,
      %gather3A_1259 = tpu.vector_load_idx %arg9[%get3A_1256] : memref<64xi32, #tpu.memory_space<vmem>>[vector<16xi32>], vector<16xi32>,
      %gather3A_1260 = tpu.vector_load_idx %arg9[%get3A_1258] : memref<64xi32, #tpu.memory_space<vmem>>[vector<16xi32>], vector<16xi32>,
      %and3A_1261 = arith.andi %gather3A_1259, %gather3A_1260 : vector<16xi32>
      %ne3A_1262 = arith.constant 0 : i32
      %ne3A_1263 = vector.broadcast %ne3A_1262 : i32 to vector<16xi32>
      %ne3A_1264 = arith.cmpi ne, %and3A_1261, %ne3A_1263 : vector<16xi32>
      %jit3A_1265 = arith.constant 1.000000e+00 : f32
      %jit3A_1266 = arith.constant 0.000000e+00 : f32
      %broadcast_in_dim3A_1267 = vector.broadcast %jit3A_1265 : f32 to vector<16xf32>
      %broadcast_in_dim3A_1268 = vector.broadcast %jit3A_1266 : f32 to vector<16xf32>
      %select_n3A_1269 = arith.select %ne3A_1264, %broadcast_in_dim3A_1267, %broadcast_in_dim3A_1268 : vector<16xi1>, vector<16xf32>
      %get3A_1270 = arith.index_cast %scan3A_874 : i32 to index
      %get3A_1271 = arith.constant 208 : index
      %get3A_1272 = tpu.vector_load %arg5[%get3A_1270, %get3A_1271] {strides = array<i32>} : memref<64x384xi32, #tpu.memory_space<vmem>>, vector<16xi32>,
      %get3A_1273 = arith.constant 208 : index
      %get3A_1274 = tpu.vector_load %arg8[%get3A_1273] {strides = array<i32>} : memref<384xi32, #tpu.memory_space<vmem>>, vector<16xi32>,
      %gather3A_1275 = tpu.vector_load_idx %arg9[%get3A_1272] : memref<64xi32, #tpu.memory_space<vmem>>[vector<16xi32>], vector<16xi32>,
      %gather3A_1276 = tpu.vector_load_idx %arg9[%get3A_1274] : memref<64xi32, #tpu.memory_space<vmem>>[vector<16xi32>], vector<16xi32>,
      %and3A_1277 = arith.andi %gather3A_1275, %gather3A_1276 : vector<16xi32>
      %ne3A_1278 = arith.constant 0 : i32
      %ne3A_1279 = vector.broadcast %ne3A_1278 : i32 to vector<16xi32>
      %ne3A_1280 = arith.cmpi ne, %and3A_1277, %ne3A_1279 : vector<16xi32>
      %jit3A_1281 = arith.constant 1.000000e+00 : f32
      %jit3A_1282 = arith.constant 0.000000e+00 : f32
      %broadcast_in_dim3A_1283 = vector.broadcast %jit3A_1281 : f32 to vector<16xf32>
      %broadcast_in_dim3A_1284 = vector.broadcast %jit3A_1282 : f32 to vector<16xf32>
      %select_n3A_1285 = arith.select %ne3A_1280, %broadcast_in_dim3A_1283, %broadcast_in_dim3A_1284 : vector<16xi1>, vector<16xf32>
      %get3A_1286 = arith.index_cast %scan3A_874 : i32 to index
      %get3A_1287 = arith.constant 224 : index
      %get3A_1288 = tpu.vector_load %arg5[%get3A_1286, %get3A_1287] {strides = array<i32>} : memref<64x384xi32, #tpu.memory_space<vmem>>, vector<16xi32>,
      %get3A_1289 = arith.constant 224 : index
      %get3A_1290 = tpu.vector_load %arg8[%get3A_1289] {strides = array<i32>} : memref<384xi32, #tpu.memory_space<vmem>>, vector<16xi32>,
      %gather3A_1291 = tpu.vector_load_idx %arg9[%get3A_1288] : memref<64xi32, #tpu.memory_space<vmem>>[vector<16xi32>], vector<16xi32>,
      %gather3A_1292 = tpu.vector_load_idx %arg9[%get3A_1290] : memref<64xi32, #tpu.memory_space<vmem>>[vector<16xi32>], vector<16xi32>,
      %and3A_1293 = arith.andi %gather3A_1291, %gather3A_1292 : vector<16xi32>
      %ne3A_1294 = arith.constant 0 : i32
      %ne3A_1295 = vector.broadcast %ne3A_1294 : i32 to vector<16xi32>
      %ne3A_1296 = arith.cmpi ne, %and3A_1293, %ne3A_1295 : vector<16xi32>
      %jit3A_1297 = arith.constant 1.000000e+00 : f32
      %jit3A_1298 = arith.constant 0.000000e+00 : f32
      %broadcast_in_dim3A_1299 = vector.broadcast %jit3A_1297 : f32 to vector<16xf32>
      %broadcast_in_dim3A_1300 = vector.broadcast %jit3A_1298 : f32 to vector<16xf32>
      %select_n3A_1301 = arith.select %ne3A_1296, %broadcast_in_dim3A_1299, %broadcast_in_dim3A_1300 : vector<16xi1>, vector<16xf32>
      %get3A_1302 = arith.index_cast %scan3A_874 : i32 to index
      %get3A_1303 = arith.constant 240 : index
      %get3A_1304 = tpu.vector_load %arg5[%get3A_1302, %get3A_1303] {strides = array<i32>} : memref<64x384xi32, #tpu.memory_space<vmem>>, vector<16xi32>,
      %get3A_1305 = arith.constant 240 : index
      %get3A_1306 = tpu.vector_load %arg8[%get3A_1305] {strides = array<i32>} : memref<384xi32, #tpu.memory_space<vmem>>, vector<16xi32>,
      %gather3A_1307 = tpu.vector_load_idx %arg9[%get3A_1304] : memref<64xi32, #tpu.memory_space<vmem>>[vector<16xi32>], vector<16xi32>,
      %gather3A_1308 = tpu.vector_load_idx %arg9[%get3A_1306] : memref<64xi32, #tpu.memory_space<vmem>>[vector<16xi32>], vector<16xi32>,
      %and3A_1309 = arith.andi %gather3A_1307, %gather3A_1308 : vector<16xi32>
      %ne3A_1310 = arith.constant 0 : i32
      %ne3A_1311 = vector.broadcast %ne3A_1310 : i32 to vector<16xi32>
      %ne3A_1312 = arith.cmpi ne, %and3A_1309, %ne3A_1311 : vector<16xi32>
      %jit3A_1313 = arith.constant 1.000000e+00 : f32
      %jit3A_1314 = arith.constant 0.000000e+00 : f32
      %broadcast_in_dim3A_1315 = vector.broadcast %jit3A_1313 : f32 to vector<16xf32>
      %broadcast_in_dim3A_1316 = vector.broadcast %jit3A_1314 : f32 to vector<16xf32>
      %select_n3A_1317 = arith.select %ne3A_1312, %broadcast_in_dim3A_1315, %broadcast_in_dim3A_1316 : vector<16xi1>, vector<16xf32>
      %get3A_1318 = arith.index_cast %scan3A_874 : i32 to index
      %get3A_1319 = arith.constant 256 : index
      %get3A_1320 = tpu.vector_load %arg5[%get3A_1318, %get3A_1319] {strides = array<i32>} : memref<64x384xi32, #tpu.memory_space<vmem>>, vector<16xi32>,
      %get3A_1321 = arith.constant 256 : index
      %get3A_1322 = tpu.vector_load %arg8[%get3A_1321] {strides = array<i32>} : memref<384xi32, #tpu.memory_space<vmem>>, vector<16xi32>,
      %gather3A_1323 = tpu.vector_load_idx %arg9[%get3A_1320] : memref<64xi32, #tpu.memory_space<vmem>>[vector<16xi32>], vector<16xi32>,
      %gather3A_1324 = tpu.vector_load_idx %arg9[%get3A_1322] : memref<64xi32, #tpu.memory_space<vmem>>[vector<16xi32>], vector<16xi32>,
      %and3A_1325 = arith.andi %gather3A_1323, %gather3A_1324 : vector<16xi32>
      %ne3A_1326 = arith.constant 0 : i32
      %ne3A_1327 = vector.broadcast %ne3A_1326 : i32 to vector<16xi32>
      %ne3A_1328 = arith.cmpi ne, %and3A_1325, %ne3A_1327 : vector<16xi32>
      %jit3A_1329 = arith.constant 1.000000e+00 : f32
      %jit3A_1330 = arith.constant 0.000000e+00 : f32
      %broadcast_in_dim3A_1331 = vector.broadcast %jit3A_1329 : f32 to vector<16xf32>
      %broadcast_in_dim3A_1332 = vector.broadcast %jit3A_1330 : f32 to vector<16xf32>
      %select_n3A_1333 = arith.select %ne3A_1328, %broadcast_in_dim3A_1331, %broadcast_in_dim3A_1332 : vector<16xi1>, vector<16xf32>
      %get3A_1334 = arith.index_cast %scan3A_874 : i32 to index
      %get3A_1335 = arith.constant 272 : index
      %get3A_1336 = tpu.vector_load %arg5[%get3A_1334, %get3A_1335] {strides = array<i32>} : memref<64x384xi32, #tpu.memory_space<vmem>>, vector<16xi32>,
      %get3A_1337 = arith.constant 272 : index
      %get3A_1338 = tpu.vector_load %arg8[%get3A_1337] {strides = array<i32>} : memref<384xi32, #tpu.memory_space<vmem>>, vector<16xi32>,
      %gather3A_1339 = tpu.vector_load_idx %arg9[%get3A_1336] : memref<64xi32, #tpu.memory_space<vmem>>[vector<16xi32>], vector<16xi32>,
      %gather3A_1340 = tpu.vector_load_idx %arg9[%get3A_1338] : memref<64xi32, #tpu.memory_space<vmem>>[vector<16xi32>], vector<16xi32>,
      %and3A_1341 = arith.andi %gather3A_1339, %gather3A_1340 : vector<16xi32>
      %ne3A_1342 = arith.constant 0 : i32
      %ne3A_1343 = vector.broadcast %ne3A_1342 : i32 to vector<16xi32>
      %ne3A_1344 = arith.cmpi ne, %and3A_1341, %ne3A_1343 : vector<16xi32>
      %jit3A_1345 = arith.constant 1.000000e+00 : f32
      %jit3A_1346 = arith.constant 0.000000e+00 : f32
      %broadcast_in_dim3A_1347 = vector.broadcast %jit3A_1345 : f32 to vector<16xf32>
      %broadcast_in_dim3A_1348 = vector.broadcast %jit3A_1346 : f32 to vector<16xf32>
      %select_n3A_1349 = arith.select %ne3A_1344, %broadcast_in_dim3A_1347, %broadcast_in_dim3A_1348 : vector<16xi1>, vector<16xf32>
      %get3A_1350 = arith.index_cast %scan3A_874 : i32 to index
      %get3A_1351 = arith.constant 288 : index
      %get3A_1352 = tpu.vector_load %arg5[%get3A_1350, %get3A_1351] {strides = array<i32>} : memref<64x384xi32, #tpu.memory_space<vmem>>, vector<16xi32>,
      %get3A_1353 = arith.constant 288 : index
      %get3A_1354 = tpu.vector_load %arg8[%get3A_1353] {strides = array<i32>} : memref<384xi32, #tpu.memory_space<vmem>>, vector<16xi32>,
      %gather3A_1355 = tpu.vector_load_idx %arg9[%get3A_1352] : memref<64xi32, #tpu.memory_space<vmem>>[vector<16xi32>], vector<16xi32>,
      %gather3A_1356 = tpu.vector_load_idx %arg9[%get3A_1354] : memref<64xi32, #tpu.memory_space<vmem>>[vector<16xi32>], vector<16xi32>,
      %and3A_1357 = arith.andi %gather3A_1355, %gather3A_1356 : vector<16xi32>
      %ne3A_1358 = arith.constant 0 : i32
      %ne3A_1359 = vector.broadcast %ne3A_1358 : i32 to vector<16xi32>
      %ne3A_1360 = arith.cmpi ne, %and3A_1357, %ne3A_1359 : vector<16xi32>
      %jit3A_1361 = arith.constant 1.000000e+00 : f32
      %jit3A_1362 = arith.constant 0.000000e+00 : f32
      %broadcast_in_dim3A_1363 = vector.broadcast %jit3A_1361 : f32 to vector<16xf32>
      %broadcast_in_dim3A_1364 = vector.broadcast %jit3A_1362 : f32 to vector<16xf32>
      %select_n3A_1365 = arith.select %ne3A_1360, %broadcast_in_dim3A_1363, %broadcast_in_dim3A_1364 : vector<16xi1>, vector<16xf32>
      %get3A_1366 = arith.index_cast %scan3A_874 : i32 to index
      %get3A_1367 = arith.constant 304 : index
      %get3A_1368 = tpu.vector_load %arg5[%get3A_1366, %get3A_1367] {strides = array<i32>} : memref<64x384xi32, #tpu.memory_space<vmem>>, vector<16xi32>,
      %get3A_1369 = arith.constant 304 : index
      %get3A_1370 = tpu.vector_load %arg8[%get3A_1369] {strides = array<i32>} : memref<384xi32, #tpu.memory_space<vmem>>, vector<16xi32>,
      %gather3A_1371 = tpu.vector_load_idx %arg9[%get3A_1368] : memref<64xi32, #tpu.memory_space<vmem>>[vector<16xi32>], vector<16xi32>,
      %gather3A_1372 = tpu.vector_load_idx %arg9[%get3A_1370] : memref<64xi32, #tpu.memory_space<vmem>>[vector<16xi32>], vector<16xi32>,
      %and3A_1373 = arith.andi %gather3A_1371, %gather3A_1372 : vector<16xi32>
      %ne3A_1374 = arith.constant 0 : i32
      %ne3A_1375 = vector.broadcast %ne3A_1374 : i32 to vector<16xi32>
      %ne3A_1376 = arith.cmpi ne, %and3A_1373, %ne3A_1375 : vector<16xi32>
      %jit3A_1377 = arith.constant 1.000000e+00 : f32
      %jit3A_1378 = arith.constant 0.000000e+00 : f32
      %broadcast_in_dim3A_1379 = vector.broadcast %jit3A_1377 : f32 to vector<16xf32>
      %broadcast_in_dim3A_1380 = vector.broadcast %jit3A_1378 : f32 to vector<16xf32>
      %select_n3A_1381 = arith.select %ne3A_1376, %broadcast_in_dim3A_1379, %broadcast_in_dim3A_1380 : vector<16xi1>, vector<16xf32>
      %get3A_1382 = arith.index_cast %scan3A_874 : i32 to index
      %get3A_1383 = arith.constant 320 : index
      %get3A_1384 = tpu.vector_load %arg5[%get3A_1382, %get3A_1383] {strides = array<i32>} : memref<64x384xi32, #tpu.memory_space<vmem>>, vector<16xi32>,
      %get3A_1385 = arith.constant 320 : index
      %get3A_1386 = tpu.vector_load %arg8[%get3A_1385] {strides = array<i32>} : memref<384xi32, #tpu.memory_space<vmem>>, vector<16xi32>,
      %gather3A_1387 = tpu.vector_load_idx %arg9[%get3A_1384] : memref<64xi32, #tpu.memory_space<vmem>>[vector<16xi32>], vector<16xi32>,
      %gather3A_1388 = tpu.vector_load_idx %arg9[%get3A_1386] : memref<64xi32, #tpu.memory_space<vmem>>[vector<16xi32>], vector<16xi32>,
      %and3A_1389 = arith.andi %gather3A_1387, %gather3A_1388 : vector<16xi32>
      %ne3A_1390 = arith.constant 0 : i32
      %ne3A_1391 = vector.broadcast %ne3A_1390 : i32 to vector<16xi32>
      %ne3A_1392 = arith.cmpi ne, %and3A_1389, %ne3A_1391 : vector<16xi32>
      %jit3A_1393 = arith.constant 1.000000e+00 : f32
      %jit3A_1394 = arith.constant 0.000000e+00 : f32
      %broadcast_in_dim3A_1395 = vector.broadcast %jit3A_1393 : f32 to vector<16xf32>
      %broadcast_in_dim3A_1396 = vector.broadcast %jit3A_1394 : f32 to vector<16xf32>
      %select_n3A_1397 = arith.select %ne3A_1392, %broadcast_in_dim3A_1395, %broadcast_in_dim3A_1396 : vector<16xi1>, vector<16xf32>
      %get3A_1398 = arith.index_cast %scan3A_874 : i32 to index
      %get3A_1399 = arith.constant 336 : index
      %get3A_1400 = tpu.vector_load %arg5[%get3A_1398, %get3A_1399] {strides = array<i32>} : memref<64x384xi32, #tpu.memory_space<vmem>>, vector<16xi32>,
      %get3A_1401 = arith.constant 336 : index
      %get3A_1402 = tpu.vector_load %arg8[%get3A_1401] {strides = array<i32>} : memref<384xi32, #tpu.memory_space<vmem>>, vector<16xi32>,
      %gather3A_1403 = tpu.vector_load_idx %arg9[%get3A_1400] : memref<64xi32, #tpu.memory_space<vmem>>[vector<16xi32>], vector<16xi32>,
      %gather3A_1404 = tpu.vector_load_idx %arg9[%get3A_1402] : memref<64xi32, #tpu.memory_space<vmem>>[vector<16xi32>], vector<16xi32>,
      %and3A_1405 = arith.andi %gather3A_1403, %gather3A_1404 : vector<16xi32>
      %ne3A_1406 = arith.constant 0 : i32
      %ne3A_1407 = vector.broadcast %ne3A_1406 : i32 to vector<16xi32>
      %ne3A_1408 = arith.cmpi ne, %and3A_1405, %ne3A_1407 : vector<16xi32>
      %jit3A_1409 = arith.constant 1.000000e+00 : f32
      %jit3A_1410 = arith.constant 0.000000e+00 : f32
      %broadcast_in_dim3A_1411 = vector.broadcast %jit3A_1409 : f32 to vector<16xf32>
      %broadcast_in_dim3A_1412 = vector.broadcast %jit3A_1410 : f32 to vector<16xf32>
      %select_n3A_1413 = arith.select %ne3A_1408, %broadcast_in_dim3A_1411, %broadcast_in_dim3A_1412 : vector<16xi1>, vector<16xf32>
      %get3A_1414 = arith.index_cast %scan3A_874 : i32 to index
      %get3A_1415 = arith.constant 352 : index
      %get3A_1416 = tpu.vector_load %arg5[%get3A_1414, %get3A_1415] {strides = array<i32>} : memref<64x384xi32, #tpu.memory_space<vmem>>, vector<16xi32>,
      %get3A_1417 = arith.constant 352 : index
      %get3A_1418 = tpu.vector_load %arg8[%get3A_1417] {strides = array<i32>} : memref<384xi32, #tpu.memory_space<vmem>>, vector<16xi32>,
      %gather3A_1419 = tpu.vector_load_idx %arg9[%get3A_1416] : memref<64xi32, #tpu.memory_space<vmem>>[vector<16xi32>], vector<16xi32>,
      %gather3A_1420 = tpu.vector_load_idx %arg9[%get3A_1418] : memref<64xi32, #tpu.memory_space<vmem>>[vector<16xi32>], vector<16xi32>,
      %and3A_1421 = arith.andi %gather3A_1419, %gather3A_1420 : vector<16xi32>
      %ne3A_1422 = arith.constant 0 : i32
      %ne3A_1423 = vector.broadcast %ne3A_1422 : i32 to vector<16xi32>
      %ne3A_1424 = arith.cmpi ne, %and3A_1421, %ne3A_1423 : vector<16xi32>
      %jit3A_1425 = arith.constant 1.000000e+00 : f32
      %jit3A_1426 = arith.constant 0.000000e+00 : f32
      %broadcast_in_dim3A_1427 = vector.broadcast %jit3A_1425 : f32 to vector<16xf32>
      %broadcast_in_dim3A_1428 = vector.broadcast %jit3A_1426 : f32 to vector<16xf32>
      %select_n3A_1429 = arith.select %ne3A_1424, %broadcast_in_dim3A_1427, %broadcast_in_dim3A_1428 : vector<16xi1>, vector<16xf32>
      %get3A_1430 = arith.index_cast %scan3A_874 : i32 to index
      %get3A_1431 = arith.constant 368 : index
      %get3A_1432 = tpu.vector_load %arg5[%get3A_1430, %get3A_1431] {strides = array<i32>} : memref<64x384xi32, #tpu.memory_space<vmem>>, vector<16xi32>,
      %get3A_1433 = arith.constant 368 : index
      %get3A_1434 = tpu.vector_load %arg8[%get3A_1433] {strides = array<i32>} : memref<384xi32, #tpu.memory_space<vmem>>, vector<16xi32>,
      %gather3A_1435 = tpu.vector_load_idx %arg9[%get3A_1432] : memref<64xi32, #tpu.memory_space<vmem>>[vector<16xi32>], vector<16xi32>,
      %gather3A_1436 = tpu.vector_load_idx %arg9[%get3A_1434] : memref<64xi32, #tpu.memory_space<vmem>>[vector<16xi32>], vector<16xi32>,
      %and3A_1437 = arith.andi %gather3A_1435, %gather3A_1436 : vector<16xi32>
      %ne3A_1438 = arith.constant 0 : i32
      %ne3A_1439 = vector.broadcast %ne3A_1438 : i32 to vector<16xi32>
      %ne3A_1440 = arith.cmpi ne, %and3A_1437, %ne3A_1439 : vector<16xi32>
      %jit3A_1441 = arith.constant 1.000000e+00 : f32
      %jit3A_1442 = arith.constant 0.000000e+00 : f32
      %broadcast_in_dim3A_1443 = vector.broadcast %jit3A_1441 : f32 to vector<16xf32>
      %broadcast_in_dim3A_1444 = vector.broadcast %jit3A_1442 : f32 to vector<16xf32>
      %select_n3A_1445 = arith.select %ne3A_1440, %broadcast_in_dim3A_1443, %broadcast_in_dim3A_1444 : vector<16xi1>, vector<16xf32>
      %swap3A_1446 = arith.index_cast %scan3A_874 : i32 to index
      %swap3A_1447 = arith.constant 0 : index
      %swap3A_1448 = tpu.vector_load %arg7[%swap3A_1446, %swap3A_1447] {strides = array<i32>} : memref<64x384xf32, #tpu.memory_space<vmem>>, vector<16xf32>,
      tpu.vector_store %arg7[%swap3A_1446, %swap3A_1447], %select_n3A_1077 {strides = array<i32>} : memref<64x384xf32, #tpu.memory_space<vmem>>, vector<16xf32>,
      %swap3A_1449 = arith.index_cast %scan3A_874 : i32 to index
      %swap3A_1450 = arith.constant 16 : index
      %swap3A_1451 = tpu.vector_load %arg7[%swap3A_1449, %swap3A_1450] {strides = array<i32>} : memref<64x384xf32, #tpu.memory_space<vmem>>, vector<16xf32>,
      tpu.vector_store %arg7[%swap3A_1449, %swap3A_1450], %select_n3A_1093 {strides = array<i32>} : memref<64x384xf32, #tpu.memory_space<vmem>>, vector<16xf32>,
      %swap3A_1452 = arith.index_cast %scan3A_874 : i32 to index
      %swap3A_1453 = arith.constant 32 : index
      %swap3A_1454 = tpu.vector_load %arg7[%swap3A_1452, %swap3A_1453] {strides = array<i32>} : memref<64x384xf32, #tpu.memory_space<vmem>>, vector<16xf32>,
      tpu.vector_store %arg7[%swap3A_1452, %swap3A_1453], %select_n3A_1109 {strides = array<i32>} : memref<64x384xf32, #tpu.memory_space<vmem>>, vector<16xf32>,
      %swap3A_1455 = arith.index_cast %scan3A_874 : i32 to index
      %swap3A_1456 = arith.constant 48 : index
      %swap3A_1457 = tpu.vector_load %arg7[%swap3A_1455, %swap3A_1456] {strides = array<i32>} : memref<64x384xf32, #tpu.memory_space<vmem>>, vector<16xf32>,
      tpu.vector_store %arg7[%swap3A_1455, %swap3A_1456], %select_n3A_1125 {strides = array<i32>} : memref<64x384xf32, #tpu.memory_space<vmem>>, vector<16xf32>,
      %swap3A_1458 = arith.index_cast %scan3A_874 : i32 to index
      %swap3A_1459 = arith.constant 64 : index
      %swap3A_1460 = tpu.vector_load %arg7[%swap3A_1458, %swap3A_1459] {strides = array<i32>} : memref<64x384xf32, #tpu.memory_space<vmem>>, vector<16xf32>,
      tpu.vector_store %arg7[%swap3A_1458, %swap3A_1459], %select_n3A_1141 {strides = array<i32>} : memref<64x384xf32, #tpu.memory_space<vmem>>, vector<16xf32>,
      %swap3A_1461 = arith.index_cast %scan3A_874 : i32 to index
      %swap3A_1462 = arith.constant 80 : index
      %swap3A_1463 = tpu.vector_load %arg7[%swap3A_1461, %swap3A_1462] {strides = array<i32>} : memref<64x384xf32, #tpu.memory_space<vmem>>, vector<16xf32>,
      tpu.vector_store %arg7[%swap3A_1461, %swap3A_1462], %select_n3A_1157 {strides = array<i32>} : memref<64x384xf32, #tpu.memory_space<vmem>>, vector<16xf32>,
      %swap3A_1464 = arith.index_cast %scan3A_874 : i32 to index
      %swap3A_1465 = arith.constant 96 : index
      %swap3A_1466 = tpu.vector_load %arg7[%swap3A_1464, %swap3A_1465] {strides = array<i32>} : memref<64x384xf32, #tpu.memory_space<vmem>>, vector<16xf32>,
      tpu.vector_store %arg7[%swap3A_1464, %swap3A_1465], %select_n3A_1173 {strides = array<i32>} : memref<64x384xf32, #tpu.memory_space<vmem>>, vector<16xf32>,
      %swap3A_1467 = arith.index_cast %scan3A_874 : i32 to index
      %swap3A_1468 = arith.constant 112 : index
      %swap3A_1469 = tpu.vector_load %arg7[%swap3A_1467, %swap3A_1468] {strides = array<i32>} : memref<64x384xf32, #tpu.memory_space<vmem>>, vector<16xf32>,
      tpu.vector_store %arg7[%swap3A_1467, %swap3A_1468], %select_n3A_1189 {strides = array<i32>} : memref<64x384xf32, #tpu.memory_space<vmem>>, vector<16xf32>,
      %swap3A_1470 = arith.index_cast %scan3A_874 : i32 to index
      %swap3A_1471 = arith.constant 128 : index
      %swap3A_1472 = tpu.vector_load %arg7[%swap3A_1470, %swap3A_1471] {strides = array<i32>} : memref<64x384xf32, #tpu.memory_space<vmem>>, vector<16xf32>,
      tpu.vector_store %arg7[%swap3A_1470, %swap3A_1471], %select_n3A_1205 {strides = array<i32>} : memref<64x384xf32, #tpu.memory_space<vmem>>, vector<16xf32>,
      %swap3A_1473 = arith.index_cast %scan3A_874 : i32 to index
      %swap3A_1474 = arith.constant 144 : index
      %swap3A_1475 = tpu.vector_load %arg7[%swap3A_1473, %swap3A_1474] {strides = array<i32>} : memref<64x384xf32, #tpu.memory_space<vmem>>, vector<16xf32>,
      tpu.vector_store %arg7[%swap3A_1473, %swap3A_1474], %select_n3A_1221 {strides = array<i32>} : memref<64x384xf32, #tpu.memory_space<vmem>>, vector<16xf32>,
      %swap3A_1476 = arith.index_cast %scan3A_874 : i32 to index
      %swap3A_1477 = arith.constant 160 : index
      %swap3A_1478 = tpu.vector_load %arg7[%swap3A_1476, %swap3A_1477] {strides = array<i32>} : memref<64x384xf32, #tpu.memory_space<vmem>>, vector<16xf32>,
      tpu.vector_store %arg7[%swap3A_1476, %swap3A_1477], %select_n3A_1237 {strides = array<i32>} : memref<64x384xf32, #tpu.memory_space<vmem>>, vector<16xf32>,
      %swap3A_1479 = arith.index_cast %scan3A_874 : i32 to index
      %swap3A_1480 = arith.constant 176 : index
      %swap3A_1481 = tpu.vector_load %arg7[%swap3A_1479, %swap3A_1480] {strides = array<i32>} : memref<64x384xf32, #tpu.memory_space<vmem>>, vector<16xf32>,
      tpu.vector_store %arg7[%swap3A_1479, %swap3A_1480], %select_n3A_1253 {strides = array<i32>} : memref<64x384xf32, #tpu.memory_space<vmem>>, vector<16xf32>,
      %swap3A_1482 = arith.index_cast %scan3A_874 : i32 to index
      %swap3A_1483 = arith.constant 192 : index
      %swap3A_1484 = tpu.vector_load %arg7[%swap3A_1482, %swap3A_1483] {strides = array<i32>} : memref<64x384xf32, #tpu.memory_space<vmem>>, vector<16xf32>,
      tpu.vector_store %arg7[%swap3A_1482, %swap3A_1483], %select_n3A_1269 {strides = array<i32>} : memref<64x384xf32, #tpu.memory_space<vmem>>, vector<16xf32>,
      %swap3A_1485 = arith.index_cast %scan3A_874 : i32 to index
      %swap3A_1486 = arith.constant 208 : index
      %swap3A_1487 = tpu.vector_load %arg7[%swap3A_1485, %swap3A_1486] {strides = array<i32>} : memref<64x384xf32, #tpu.memory_space<vmem>>, vector<16xf32>,
      tpu.vector_store %arg7[%swap3A_1485, %swap3A_1486], %select_n3A_1285 {strides = array<i32>} : memref<64x384xf32, #tpu.memory_space<vmem>>, vector<16xf32>,
      %swap3A_1488 = arith.index_cast %scan3A_874 : i32 to index
      %swap3A_1489 = arith.constant 224 : index
      %swap3A_1490 = tpu.vector_load %arg7[%swap3A_1488, %swap3A_1489] {strides = array<i32>} : memref<64x384xf32, #tpu.memory_space<vmem>>, vector<16xf32>,
      tpu.vector_store %arg7[%swap3A_1488, %swap3A_1489], %select_n3A_1301 {strides = array<i32>} : memref<64x384xf32, #tpu.memory_space<vmem>>, vector<16xf32>,
      %swap3A_1491 = arith.index_cast %scan3A_874 : i32 to index
      %swap3A_1492 = arith.constant 240 : index
      %swap3A_1493 = tpu.vector_load %arg7[%swap3A_1491, %swap3A_1492] {strides = array<i32>} : memref<64x384xf32, #tpu.memory_space<vmem>>, vector<16xf32>,
      tpu.vector_store %arg7[%swap3A_1491, %swap3A_1492], %select_n3A_1317 {strides = array<i32>} : memref<64x384xf32, #tpu.memory_space<vmem>>, vector<16xf32>,
      %swap3A_1494 = arith.index_cast %scan3A_874 : i32 to index
      %swap3A_1495 = arith.constant 256 : index
      %swap3A_1496 = tpu.vector_load %arg7[%swap3A_1494, %swap3A_1495] {strides = array<i32>} : memref<64x384xf32, #tpu.memory_space<vmem>>, vector<16xf32>,
      tpu.vector_store %arg7[%swap3A_1494, %swap3A_1495], %select_n3A_1333 {strides = array<i32>} : memref<64x384xf32, #tpu.memory_space<vmem>>, vector<16xf32>,
      %swap3A_1497 = arith.index_cast %scan3A_874 : i32 to index
      %swap3A_1498 = arith.constant 272 : index
      %swap3A_1499 = tpu.vector_load %arg7[%swap3A_1497, %swap3A_1498] {strides = array<i32>} : memref<64x384xf32, #tpu.memory_space<vmem>>, vector<16xf32>,
      tpu.vector_store %arg7[%swap3A_1497, %swap3A_1498], %select_n3A_1349 {strides = array<i32>} : memref<64x384xf32, #tpu.memory_space<vmem>>, vector<16xf32>,
      %swap3A_1500 = arith.index_cast %scan3A_874 : i32 to index
      %swap3A_1501 = arith.constant 288 : index
      %swap3A_1502 = tpu.vector_load %arg7[%swap3A_1500, %swap3A_1501] {strides = array<i32>} : memref<64x384xf32, #tpu.memory_space<vmem>>, vector<16xf32>,
      tpu.vector_store %arg7[%swap3A_1500, %swap3A_1501], %select_n3A_1365 {strides = array<i32>} : memref<64x384xf32, #tpu.memory_space<vmem>>, vector<16xf32>,
      %swap3A_1503 = arith.index_cast %scan3A_874 : i32 to index
      %swap3A_1504 = arith.constant 304 : index
      %swap3A_1505 = tpu.vector_load %arg7[%swap3A_1503, %swap3A_1504] {strides = array<i32>} : memref<64x384xf32, #tpu.memory_space<vmem>>, vector<16xf32>,
      tpu.vector_store %arg7[%swap3A_1503, %swap3A_1504], %select_n3A_1381 {strides = array<i32>} : memref<64x384xf32, #tpu.memory_space<vmem>>, vector<16xf32>,
      %swap3A_1506 = arith.index_cast %scan3A_874 : i32 to index
      %swap3A_1507 = arith.constant 320 : index
      %swap3A_1508 = tpu.vector_load %arg7[%swap3A_1506, %swap3A_1507] {strides = array<i32>} : memref<64x384xf32, #tpu.memory_space<vmem>>, vector<16xf32>,
      tpu.vector_store %arg7[%swap3A_1506, %swap3A_1507], %select_n3A_1397 {strides = array<i32>} : memref<64x384xf32, #tpu.memory_space<vmem>>, vector<16xf32>,
      %swap3A_1509 = arith.index_cast %scan3A_874 : i32 to index
      %swap3A_1510 = arith.constant 336 : index
      %swap3A_1511 = tpu.vector_load %arg7[%swap3A_1509, %swap3A_1510] {strides = array<i32>} : memref<64x384xf32, #tpu.memory_space<vmem>>, vector<16xf32>,
      tpu.vector_store %arg7[%swap3A_1509, %swap3A_1510], %select_n3A_1413 {strides = array<i32>} : memref<64x384xf32, #tpu.memory_space<vmem>>, vector<16xf32>,
      %swap3A_1512 = arith.index_cast %scan3A_874 : i32 to index
      %swap3A_1513 = arith.constant 352 : index
      %swap3A_1514 = tpu.vector_load %arg7[%swap3A_1512, %swap3A_1513] {strides = array<i32>} : memref<64x384xf32, #tpu.memory_space<vmem>>, vector<16xf32>,
      tpu.vector_store %arg7[%swap3A_1512, %swap3A_1513], %select_n3A_1429 {strides = array<i32>} : memref<64x384xf32, #tpu.memory_space<vmem>>, vector<16xf32>,
      %swap3A_1515 = arith.index_cast %scan3A_874 : i32 to index
      %swap3A_1516 = arith.constant 368 : index
      %swap3A_1517 = tpu.vector_load %arg7[%swap3A_1515, %swap3A_1516] {strides = array<i32>} : memref<64x384xf32, #tpu.memory_space<vmem>>, vector<16xf32>,
      tpu.vector_store %arg7[%swap3A_1515, %swap3A_1516], %select_n3A_1445 {strides = array<i32>} : memref<64x384xf32, #tpu.memory_space<vmem>>, vector<16xf32>,
    }
    %scan3A_873 = arith.constant 64 : i32
    "tpu.trace_stop"() : () -> ()
    "tpu.trace_start"() <{level = 10 : i32, message = "dma_out"}> : () -> ()
    "tpu.region"() ({
      %run_scoped3A = tpu.sem_alloc : memref<!tpu.dma_semaphore, #tpu.memory_space<semaphore_mem>>
      %dma_start3A_874 = arith.constant 0 : i32
      %dma_start3A_875 = tpu.memref_slice %arg4[%mul3A_2, %dma_start3A_874] : memref<2048x384xf32, #tpu.memory_space<hbm>> -> memref<64x384xf32, #tpu.memory_space<hbm>>
      %dma_start3A_876 = arith.constant 0 : i32
      %dma_start3A_877 = tpu.memref_slice %arg4[%mul3A_2, %dma_start3A_876] : memref<2048x384xf32, #tpu.memory_space<hbm>> -> memref<64x384xf32, #tpu.memory_space<hbm>>
      tpu.enqueue_dma source(%arg7 : memref<64x384xf32, #tpu.memory_space<vmem>>) target(%dma_start3A_877 : memref<64x384xf32, #tpu.memory_space<hbm>>) target_semaphore(%run_scoped3A : memref<!tpu.dma_semaphore, #tpu.memory_space<semaphore_mem>>)
      %dma_wait3A_878 = arith.constant 0 : i32
      %dma_wait3A_879 = tpu.memref_slice %arg4[%mul3A_2, %dma_wait3A_878] : memref<2048x384xf32, #tpu.memory_space<hbm>> -> memref<64x384xf32, #tpu.memory_space<hbm>>
      %dma_wait3A_880 = arith.constant 0 : i32
      %dma_wait3A_881 = tpu.memref_slice %arg4[%mul3A_2, %dma_wait3A_880] : memref<2048x384xf32, #tpu.memory_space<hbm>> -> memref<64x384xf32, #tpu.memory_space<hbm>>
      tpu.wait_dma2 semaphore(%run_scoped3A : memref<!tpu.dma_semaphore, #tpu.memory_space<semaphore_mem>>) src(%arg7 : memref<64x384xf32, #tpu.memory_space<vmem>>) dst(%dma_wait3A_881 : memref<64x384xf32, #tpu.memory_space<hbm>>)
      tpu.yield
    }) : () -> ()
    "tpu.trace_stop"() : () -> ()
    return
  }
}

</mosaic_0001>

<sc_bundles>
// kernel: kernel.3.cloned.1.call-start
scs
__scs_entry_jumppad:
0x0: {  	(pc) =	sbr.rel $0x88, $3  }
0x1: {  	(tag) =	ssettag $0x0;
	lr =	simm.s32 $0x1  }
0x2: {  	[smem:$0x3F9F] =	sst lr;
	_ =	strace $0xD0000000  }
0x3: {  	_ = 	snop  }
0x4: {  	_ = 	snop  }
0x5: {  	_ = 	snop  }
0x6: {  	_ = 	snop  }
0x7: {  	_ = 	snop  }
__scs_overlays_trampoline_lowered:
0x8: {  	[smem:$0x3FAE] =	sst s0  }
0x9: {  	[smem:$0x3FAF] =	sst s1  }
0xa: {  	[smem:$0x3FB0] =	sst s2  }
0xb: {  	[smem:$0x3FB1] =	sst s3  }
0xc: {  	[smem:$0x3FB2] =	sst s4  }
0xd: {  	[smem:$0x3FB3] =	sst s5  }
0xe: {  	[smem:$0x3FB4] =	sst s6  }
0xf: {  	[smem:$0x3FB5] =	sst s7  }
0x10: {  	[smem:$0x3FB6] =	sst s8  }
0x11: {  	[smem:$0x3FB7] =	sst s9;
	s0 =	simm.s32 @!p0 $0x0  }
0x12: {  	s1 =	sld [smem:$0x3F9D];
	s0 =	simm.s32 @p0 $0x1  }
0x13: {  	[smem:$0x3FB8] =	sst s0;
	s0 =	simm.s32 @!p1 $0x0  }
0x14: {  	s2 =	sld [smem:$0x3F9C];
	s0 =	simm.s32 @p1 $0x1  }
0x15: {  	[smem:$0x3FB9] =	sst s0;
	s0 =	simm.s32 @!p2 $0x0  }
0x16: {  	s3 =	sld [smem:$0x3FDB];
	s0 =	simm.s32 @p2 $0x1  }
0x17: {  	s4 =	simm.s32 $0x1BF5;
	[smem:$0x3FBB] =	sst s0  }
0x18: {  	s0 =	sld [smem:$0x3F9E];
	_ =	swait.ge [sflag:s4], $0x0  }
0x19: {  	s7 =	sld [smem:$0x3F9F]  }
0x1a: {  	s8 =	sadd.s32 $0xFFFFE003, lr  }
0x1b: {  	s9 =	sadd.s32 $0xFFFFFEF7, lr;
	s5 =	simm.s32 $0xFFFFFFFF;
	p2 =	slt.u32 s8, $0xFFFFF086  }
0x1c: {  	p1 =	slt.u32 s9, $0xF7A;
	s5 =	simm.s32 @!p2 $0x0  }
0x1d: {  	s5 =	simm.s32 @p1 $0x1;
	p0 =	seq.s32 s7, s2  }
0x1e: {  	s7 =	smul.u32 @!p0 $0xF7A, s2;
	p2 =	seq.s32 @!p0 s5, $0x0  }
0x1f: {  	s9 =	smul.u32 $0xF7A, s1;
	s8 =	simm.s32 @!p0 $0x1BF5;
	p2 =	por !p2, p0  }
0x20: {  	[sflag:s8] =	ssyncset.s32 @!p0 $0xFFFFF086;
	s6 =	sadd.s32 @!p0 s3, s7;
	s7 =	simm.s32 @!p0 $0x108  }
0x21: {  	s3 =	sadd.s32 s3, s9;
	s6 =	sadd.s32 @!p0 $0x88, s6;
	s7 =	simm.s32 @p2 $0x1082  }
0x22: {  	[simem:s7], [sflag:s8] =	dma.local @!p0 [hbm:s6], $0xF7A  }
0x23: {  	s9 =	sor.u32 $0xD0000000, s2;
	s6 =	simm.s32 $0x108;
	_ =	swait.ge @!p0 [sflag:s8], $0x0  }
0x24: {  	s3 =	sadd.s32 $0x88, s3;
	s6 =	simm.s32 @!p1 $0x1082;
	[sflag:s4] =	ssyncset.s32 $0xFFFFF086  }
0x25: {  	[simem:s6], [sflag:s4] =	dma.local [hbm:s3], $0xF7A  }
0x26: {  	[smem:$0x3F9F] =	sst s1;
	(tag) =	ssettag s2;
	_ =	strace s9  }
0x27: {  	s1 =	sld [smem:$0x3FAF]  }
0x28: {  	s2 =	sld [smem:$0x3FB0]  }
0x29: {  	s4 =	sld [smem:$0x3FB2]  }
0x2a: {  	p0 =	seq.s32 s5, $0x0;
	s5 =	sld [smem:$0x3FB3]  }
0x2b: {  	s6 =	sld [smem:$0x3FB4]  }
0x2c: {  	s7 =	sld [smem:$0x3FB5]  }
0x2d: {  	s3 =	simm.s32 $0x108;
	s8 =	sld [smem:$0x3FB6]  }
0x2e: {  	s3 =	simm.s32 @!p0 $0x1082;
	s9 =	sld [smem:$0x3FB7]  }
0x2f: {  	lr =	sadd.s32 s0, s3;
	s0 =	sld [smem:$0x3FAE]  }
0x30: {  	s3 =	sld [smem:$0x3FB1]  }
0x31: {  	[smem:$0x3FBA] =	sst s10  }
0x32: {  	s10 =	sld [smem:$0x3FB8];
	_ =	sdelay $0x3  }
0x33: {  	p0 =	seq.s32 s10, $0x1;
	s10 =	sld [smem:$0x3FBA];
	_ =	sdelay $0x3  }
0x34: {  	[smem:$0x3FBA] =	sst s10  }
0x35: {  	s10 =	sld [smem:$0x3FB9];
	_ =	sdelay $0x3  }
0x36: {  	p1 =	seq.s32 s10, $0x1;
	s10 =	sld [smem:$0x3FBA];
	_ =	sdelay $0x3  }
0x37: {  	[smem:$0x3FBA] =	sst s10  }
0x38: {  	s10 =	sld [smem:$0x3FBB]  }
0x39: {  	_ = 	snop;
	(pc) =	sbr.ind lr, $3  }
0x3a: {  	_ = 	snop  }
0x3b: {  	_ = 	snop  }
0x3c: {  	p2 =	seq.s32 s10, $0x1;
	s10 =	sld [smem:$0x3FBA]  }
0x3d: {  	_ =	shalt  }
0x3e: {  	_ =	shalt  }
0x3f: {  	_ =	shalt  }
0x40: {  	_ =	shalt  }
0x41: {  	_ =	shalt  }
0x42: {  	_ =	shalt  }
0x43: {  	_ =	shalt  }
0x44: {  	_ =	shalt  }
0x45: {  	_ =	shalt  }
0x46: {  	_ =	shalt  }
0x47: {  	_ =	shalt  }
0x48: {  	_ =	shalt  }
0x49: {  	_ =	shalt  }
0x4a: {  	_ =	shalt  }
0x4b: {  	_ =	shalt  }
0x4c: {  	_ =	shalt  }
0x4d: {  	_ =	shalt  }
0x4e: {  	_ =	shalt  }
0x4f: {  	_ =	shalt  }
0x50: {  	_ =	shalt  }
0x51: {  	_ =	shalt  }
0x52: {  	_ =	shalt  }
0x53: {  	_ =	shalt  }
0x54: {  	_ =	shalt  }
0x55: {  	_ =	shalt  }
0x56: {  	_ =	shalt  }
0x57: {  	_ =	shalt  }
0x58: {  	_ =	shalt  }
0x59: {  	_ =	shalt  }
0x5a: {  	_ =	shalt  }
0x5b: {  	_ =	shalt  }
0x5c: {  	_ =	shalt  }
0x5d: {  	_ =	shalt  }
0x5e: {  	_ =	shalt  }
0x5f: {  	_ =	shalt  }
0x60: {  	_ =	shalt  }
0x61: {  	_ =	shalt  }
0x62: {  	_ =	shalt  }
0x63: {  	_ =	shalt  }
0x64: {  	_ =	shalt  }
0x65: {  	_ =	shalt  }
0x66: {  	_ =	shalt  }
0x67: {  	_ =	shalt  }
0x68: {  	_ =	shalt  }
0x69: {  	_ =	shalt  }
0x6a: {  	_ =	shalt  }
0x6b: {  	_ =	shalt  }
0x6c: {  	_ =	shalt  }
0x6d: {  	_ =	shalt  }
0x6e: {  	_ =	shalt  }
0x6f: {  	_ =	shalt  }
0x70: {  	_ =	shalt  }
0x71: {  	_ =	shalt  }
0x72: {  	_ =	shalt  }
0x73: {  	_ =	shalt  }
0x74: {  	_ =	shalt  }
0x75: {  	_ =	shalt  }
0x76: {  	_ =	shalt  }
0x77: {  	_ =	shalt  }
0x78: {  	_ =	shalt  }
0x79: {  	_ =	shalt  }
0x7a: {  	_ =	shalt  }
0x7b: {  	_ =	shalt  }
0x7c: {  	_ =	shalt  }
0x7d: {  	_ =	shalt  }
0x7e: {  	_ =	shalt  }
0x7f: {  	_ =	shalt  }
0x80: {  	_ =	shalt  }
0x81: {  	_ =	shalt  }
0x82: {  	_ =	shalt  }
0x83: {  	_ =	shalt  }
0x84: {  	_ =	shalt  }
0x85: {  	_ =	shalt  }
0x86: {  	_ =	shalt  }
0x87: {  	_ =	shalt  }
.Lfunc_end0:
.L_simem_size_0:
called_computation_lowered:
.L_overlay_start_0:
0x88: {  	s2 =	sld [smem:$0x3FD9]  }
0x89: {  	s3 =	sld [smem:$0x3FFE];
	_ =	sdelay $0x1  }
0x8a: {  	s1 =	srdreg.scid  }
0x8b: {  	s0 =	sand.u32 $0x1, s1  }
0x8c: {  	s17 =	sshll.u32 s0, $0xA;
	s2 =	sadd.s32 s3, s2  }
0x8d: {  	s2 =	sadd.s32 s2, s17  }
0x8e: {  	[smem:$0x3FC6] =	sst s2  }
0x8f: {  	_ = 	snop  }
0x90: {  	s2 =	sld [smem:$0x3FD0];
	(tm) =	ssettm $0x1  }
0x91: {  	s18 =	sld [smem:$0x3FFB];
	_ =	sdelay $0x3  }
0x92: {  	_ =	strace s18  }
0x93: {  	s3 =	sld [smem:$0x3FFC];
	_ =	sdelay $0x3  }
0x94: {  	_ =	strace s3  }
0x95: {  	s3 =	sld [smem:$0x3FFD];
	_ =	sdelay $0x3  }
0x96: {  	_ =	strace s3  }
0x97: {  	_ =	strace $0x8FFFFFFF  }
0x98: {  	s19 =	sld [smem:$0x3FDB];
	_ =	sdelay $0x1  }
0x99: {  	s4 =	simm.s32 $_scs_section_size  }
0x9a: {  	s5 =	simm.s32 $_size__tile_overlayer_lowered;
	s6 =	simm.s32 $_tile_overlayer_lowered  }
0x9b: {  	s22 =	simm.s32 $0x1BFF;
	s21 =	sshll.u32 s6, $0x1;
	s3 =	sadd.s32 s4, s19  }
0x9c: {  	s7 =	simm.s32 $0x0;
	s20 =	sshll.u32 s5, $0x1;
	s5 =	sadd.s32 s21, s3  }
0x9d: {  	[timem:s7], [sflag:s22] =	dma.local [hbm:s5], s20  }
0x9e: {  	_ =	swait.ge [sflag:s22], s20  }
0x9f: {  	s4 =	ssub.s32 $0x0, s20;
	[sflag:s22] =	ssyncset.done $0x0  }
0xa0: {  	[sflag:s22] =	ssyncadd.s32 s4;
	_ =	sdelay $0x1  }
0xa1: {  	s23 =	simm.s32 $0x1B8B  }
0xa2: {  	_ =	swait.ge [sflag:s23], $0x1  }
0xa3: {  	[sflag:s23] =	ssyncset.done $0x0  }
0xa4: {  	s25 =	simm.s32 $0x1B8E;
	s24 =	sld [smem:$0x3FFE];
	[sflag:s23] =	ssyncadd.s32 $0xFFFFFFFF  }
0xa5: {  	s26 =	simm.s32 $execute0_lowered;
	[smem:$0x3FD2] =	sst s25  }
0xa6: {  	s5 =	sshll.u32 s26, $0x1;
	_ =	strace $0x80000046;
	[dreg:$0x1] =	wrdreg $0xFFFFFFFF  }
0xa7: {  	s28 =	simm.s32 $_size_execute0_lowered;
	s3 =	sadd.s32 s3, s5;
	[dreg:$0x0] =	wrdreg $0x0  }
0xa8: {  	s5 =	sshll.u32 s28, $0x1;
	[dreg:$0x2] =	wrdreg s3  }
0xa9: {  	[dreg:$0x3] =	wrdreg s5  }
0xaa: {  	[dreg:$0x4] =	wrdreg $0xC0  }
0xab: {  	_ =	task [dreg:s7], $0x5FFFF  }
0xac: {  	[dreg:$0x1] =	wrdreg $0xFFFFFFFF  }
0xad: {  	[dreg:$0x0] =	wrdreg $0x60  }
0xae: {  	[dreg:$0x2] =	wrdreg s2  }
0xaf: {  	[dreg:$0x3] =	wrdreg s24  }
0xb0: {  	[dreg:$0x4] =	wrdreg $0x9  }
0xb1: {  	_ =	task.clear_ibuf [dreg:s7], $0x5FFFF;
	_ =	strace $0x90000046  }
0xb2: {  	s29 =	simm.s32 $0x9;
	_ =	strace $0x8000004B  }
0xb3: {  	_ =	swait.ge [sflag:s29], $0x1  }
0xb4: {  	[sflag:s29] =	ssyncadd.s32 $0xFFFFFFFF  }
0xb5: {  	_ =	strace $0x9000004B  }
0xb6: {  	_ =	sfence  }
0xb7: {  	s30 =	sld [smem:$0x0];
	_ =	sdelay $0x2  }
0xb8: {  	s31 =	sshll.u32 s1, $0xD;
	s1 =	sshrl.u32 s1, $0x2  }
0xb9: {  	s3 =	sand.u32 $0x4000, s31;
	s1 =	sadd.s32 s1, s30  }
0xba: {  	s0 =	sor.u32 s3, s0;
	s1 =	sshll.u32 s1, $0x11  }
0xbb: {  	s0 =	sor.u32 s1, s0  }
0xbc: {  	s0 =	sadd.s32 $0x8F2B, s0  }
0xbd: {  	[sflag:s0] =	ssyncadd.remote.s32 $0x1  }
0xbe: {  	_ =	sfence.sel $0xFFFF  }
0xbf: {  	[dreg:$0x0] =	wrdreg $0xFFFFFFFF;
	(pc) =	sbr.abs _section_cstart, $3  }
0xc0: {  	[dreg:$0x1] =	wrdreg $0xFFFFFFFF  }
0xc1: {  	_ =	task.clear_ibuf [dreg:s7], $0x2FFFF;
	_ =	strace $0x9FFFFFFF  }
0xc2: {  	(tm) =	ssettm $0x7FFFFFFF  }
0xc3: {  	_ =	shalt  }
tec
execute0_lowered:
.L_overlay_start_1:
0x0: {  	(tag) =	ssettag $0x1  }
0x1: {  	v0 =	vimm.s32 $0x3030202  }
0x2: {  	v1 =	vimm.s32 $0x2;
	vm4 =	vcmask $0x1700;
	vm2 =	vcmask $0x2F18  }
0x3: {  	vm0 =	vcmask $0xF00;
	vm5 =	vcmask $0x1F10;
	vm3 =	vcmask $0x3720  }
0x4: {  	v40 =	vimm.s32 $0xB0B0A0A;
	v3 =	vimm.s32 $0x7;
	vm1 =	vcmask $0x2710  }
0x5: {  	v43 =	vimm.s32 $0xA;
	v5 =	vimm.s32 $0x13131212;
	v6 =	vimm.s32 $0xF  }
0x6: {  	v7 =	vimm.s32 $0x12;
	v52 =	vimm.s32 $0x17;
	v9 =	vimm.s32 $0x1B1B1A1A  }
0x7: {  	v10 =	vimm.s32 $0x1A;
	v58 =	vimm.s32 $0x23232222;
	v12 =	vimm.s32 $0x1F  }
0x8: {  	v14 =	vimm.s32 $0x2B2B2A2A;
	v15 =	vimm.s32 $0x27;
	v16 =	vimm.s32 $0x2A  }
0x9: {  	v18 =	vimm.s32 $0x33333232;
	v19 =	vimm.s32 $0x32;
	v21 =	vimm.s32 $0x37  }
0xa: {  	v23 =	vlaneseq.u32;
	v24 =	vimm.s32 $0x3F;
	v2 =	vunpack.c.0.s8.s32 v0  }
0xb: {  	v38 =	vsel vm4, $0x0, v1;
	v4 =	vunpack.c.0.s8.s32 v40;
	v42 =	vsel vm0, $0x5, v3  }
0xc: {  	v3 =	vsel vm4, $0x8, v43;
	v8 =	vunpack.c.0.s8.s32 v5;
	v47 =	vsel vm0, $0xD, v6  }
0xd: {  	v48 =	vsel vm4, $0x10, v7;
	v11 =	vunpack.c.0.s8.s32 v9;
	v55 =	vsel vm4, $0x18, v10  }
0xe: {  	v13 =	vunpack.c.0.s8.s32 v58;
	v60 =	vsel vm0, $0x1D, v12;
	v12 =	vimm.s32 $0x22  }
0xf: {  	v17 =	vunpack.c.0.s8.s32 v14;
	v14 =	vsel vm0, $0x25, v15;
	v15 =	vsel vm4, $0x28, v16  }
0x10: {  	v20 =	vunpack.c.0.s8.s32 v18;
	v18 =	vsel vm4, $0x30, v19;
	v25 =	vshrl.u32 v23, $0x3  }
0x11: {  	v23 =	vsel vm0, $0x3D, v24;
	v24 =	vimm.s32 $0x0;
	v0 =	vsel vm2, $0x1, v38  }
0x12: {  	v44 =	vsel vm1, $0x6, v42;
	v45 =	vsel vm2, $0x9, v3;
	v49 =	vsel vm1, $0xE, v47  }
0x13: {  	v50 =	vsel vm2, $0x11, v48;
	v56 =	vsel vm2, $0x19, v55;
	v61 =	vsel vm1, $0x1E, v60  }
0x14: {  	v12 =	vsel vm4, $0x20, v12;
	v14 =	vsel vm1, $0x26, v14;
	v15 =	vsel vm2, $0x29, v15;
	[tilespmem:$0x1FF20] =	vst v0  }
0x15: {  	v18 =	vsel vm2, $0x31, v18;
	v26 =	vmul.u32 $0xF, v25;
	v27 =	vmul.u32 $0xF00, v25;
	[tilespmem:$0x1FF40] =	vst v44  }
0x16: {  	v23 =	vsel vm1, $0x3E, v23;
	v28 =	vmul.u32 $0xF0000, v25;
	v29 =	vmul.u32 $0xF000000, v25;
	[tilespmem:$0x1FF50] =	vst v45  }
0x17: {  	v39 =	vnsel vm0, $0x5, v2;
	v4 =	vnsel vm0, $0xD, v4;
	[tilespmem:$0x1FF70] =	vst v49;
	v51 =	vnsel vm0, $0x15, v8  }
0x18: {  	[tilespmem:$0x1FF80] =	vst v50;
	v8 =	vsel vm0, $0x15, v52;
	v57 =	vnsel vm0, $0x1D, v11;
	v13 =	vnsel vm0, $0x25, v13  }
0x19: {  	[tilespmem:$0x1FFB0] =	vst v56;
	v62 =	vsel vm2, $0x21, v12;
	v16 =	vnsel vm0, $0x2D, v17;
	v17 =	vimm.s32 $0x2F  }
0x1a: {  	s1 =	srdreg.scid;
	s4 =	rddreg [dreg:$0x0];
	[tilespmem:$0x1FFD0] =	vst v61;
	v19 =	vnsel vm0, $0x35, v20;
	v20 =	vimm.s32 $0x3B3B3A3A;
	v1 =	vsel vm5, $0x3, v39  }
0x1b: {  	s0 =	stileid.u32;
	s5 =	rddreg [dreg:$0x1];
	s9 =	simm.s32 $0x1;
	v4 =	vsel vm5, $0xB, v4;
	v7 =	vsel vm5, $0x13, v51;
	v54 =	vsel vm1, $0x16, v8;
	[tilespmem:$0x1FFE0] =	vst v62  }
0x1c: {  	s10 =	simm.s32 $0xE200;
	s11 =	simm.s32 $0xE280;
	s3 =	sand.u32 $0x1, s1;
	v10 =	vsel vm5, $0x1B, v57;
	v13 =	vsel vm5, $0x23, v13;
	v41 =	vsel vm3, $0x4, v1;
	[tilespmem:$0x1FFA0] =	vst v54  }
0x1d: {  	s12 =	simm.s32 $0xE180;
	s2 =	sshll.u32 s0, $0x6;
	s1 =	sshll.u32 s3, $0xA;
	v16 =	vsel vm5, $0x2B, v16;
	v17 =	vsel vm0, $0x2D, v17;
	v46 =	vsel vm3, $0xC, v4;
	[tilespmem:$0x1FF30] =	vst v41  }
0x1e: {  	s13 =	simm.s32 $0x8000;
	s14 =	simm.s32 $0x0;
	s6 =	sor.u32 s2, s1;
	v19 =	vsel vm5, $0x33, v19;
	v22 =	vunpack.c.0.s8.s32 v20;
	v53 =	vsel vm3, $0x14, v7;
	[tilespmem:$0x1FF60] =	vst v46  }
0x1f: {  	s3 =	ssub.s32 $0x2, s3;
	s1 =	rddreg [dreg:$0x2];
	s7 =	sshrl.u32 s6, $0x3;
	v20 =	vsel vm0, $0x35, v21;
	v21 =	vimm.s32 $0x3A;
	v59 =	vsel vm3, $0x1C, v10;
	[tilespmem:$0x1FF90] =	vst v53  }
0x20: {  	s2 =	simm.s32 $0x0;
	s8 =	sshrl.u32 s3, $0x1;
	v25 =	vadd.s32 $0x1, v26;
	v26 =	vadd.s32 $0x100, v27;
	v63 =	vsel vm3, $0x24, v13;
	s7 =	smul.u32 $0x180, s7;
	[tilespmem:$0x1FFC0] =	vst v59  }
0x21: {  	[smem:$0x7FF] =	sst s2;
	s6 =	sshll.u32 s6, $0x4;
	s8 =	ssub.s32 s3, s8;
	v27 =	vadd.s32 $0x10000, v28;
	v28 =	vadd.s32 $0x1000000, v29;
	v29 =	vimm.f32 $1.000000000e+00;
	[tilespmem:$0x1FFF0] =	vst v63  }
0x22: {  	v16 =	vsel vm3, $0x2C, v16;
	v17 =	vsel vm1, $0x2E, v17;
	s6 =	sadd.s32 s6, s5;
	v22 =	vnsel vm0, $0x3D, v22;
	_ =	strace $0x80000047;
	s5 =	sadd.s32 s7, s5  }
0x23: {  	v19 =	vsel vm3, $0x34, v19;
	v21 =	vsel vm4, $0x38, v21;
	v22 =	vsel vm5, $0x3B, v22;
	s3 =	sadd.s32 s4, s7;
	s4 =	sadd.s32 $0x600, s6;
	s6 =	smax.u32 s8, $0x1  }
0x24: {  	v20 =	vsel vm1, $0x36, v20;
	v21 =	vsel vm2, $0x39, v21;
	s7 =	simm.s32 $0x6000;
	s8 =	simm.s32 $0x2;
	v22 =	vsel vm3, $0x3C, v22;
	s5 =	sadd.s32 $0x8600, s5  }
.LBB2_1:
0x25: {  	[tilespmem:s2], [sflag:$0x1] =	stream.linear.gather [hbm4b:s3+s2], $0x6000, $0x38;
	[tilespmem:$0xE300] =	vst v63  }
0x26: {  	_ =	strace $0x80000048  }
0x27: {  	[tilespmem:s7], [sflag:$0x2] =	stream.linear.gather [hbm4b:s4+s2], $0x2000, $0x200038;
	[tilespmem:$0xE300] =	vst v63  }
0x28: {  	_ =	swait.ge [sflag:s8], $0x2000  }
0x29: {  	[sflag:s8] =	ssyncset.done $0x0  }
0x2a: {  	[sflag:s8] =	ssyncadd.s32 $0xFFFFE000  }
0x2b: {  	_ =	strace $0x90000048;
	[tilespmem:$0xE0E0] =	vst v14  }
0x2c: {  	[tilespmem:$0xE0F0] =	vst v15  }
0x2d: {  	[tilespmem:$0xE100] =	vst v16  }
0x2e: {  	[tilespmem:$0xE110] =	vst v17  }
0x2f: {  	[tilespmem:$0xE120] =	vst v18  }
0x30: {  	[tilespmem:$0xE130] =	vst v19;
	v0 =	vld [tilespmem:$0x1FF20]  }
0x31: {  	[tilespmem:$0xE140] =	vst v20;
	v51 =	vld [tilespmem:$0x1FF30]  }
0x32: {  	[tilespmem:$0xE150] =	vst v21;
	v52 =	vld [tilespmem:$0x1FF40]  }
0x33: {  	[tilespmem:$0xE160] =	vst v22;
	v53 =	vld [tilespmem:$0x1FF50]  }
0x34: {  	[tilespmem:$0xE170] =	vst v23;
	v54 =	vld [tilespmem:$0x1FF60]  }
0x35: {  	v55 =	vld [tilespmem:$0x1FF70];
	[tilespmem:$0xE000] =	vst v0  }
0x36: {  	v56 =	vld [tilespmem:$0x1FF80];
	[tilespmem:$0xE010] =	vst v51  }
0x37: {  	v57 =	vld [tilespmem:$0x1FF90];
	[tilespmem:$0xE020] =	vst v52  }
0x38: {  	v58 =	vld [tilespmem:$0x1FFA0];
	[tilespmem:$0xE030] =	vst v53  }
0x39: {  	v59 =	vld [tilespmem:$0x1FFB0];
	[tilespmem:$0xE040] =	vst v54  }
0x3a: {  	v60 =	vld [tilespmem:$0x1FFC0];
	[tilespmem:$0xE050] =	vst v55  }
0x3b: {  	v61 =	vld [tilespmem:$0x1FFD0];
	[tilespmem:$0xE060] =	vst v56  }
0x3c: {  	v62 =	vld [tilespmem:$0x1FFE0];
	[tilespmem:$0xE070] =	vst v57  }
0x3d: {  	v63 =	vld [tilespmem:$0x1FFF0];
	[tilespmem:$0xE080] =	vst v58  }
0x3e: {  	[tilespmem:$0xE090] =	vst v59  }
0x3f: {  	[tilespmem:$0xE0A0] =	vst v60  }
0x40: {  	[tilespmem:$0xE0B0] =	vst v61  }
0x41: {  	[tilespmem:$0xE0C0] =	vst v62  }
0x42: {  	[tilespmem:$0xE0D0] =	vst v63  }
0x43: {  	_ =	swait.ge [sflag:s9], $0x6000  }
0x44: {  	[sflag:s9] =	ssyncset.done $0x0  }
0x45: {  	s15 =	simm.s32 $0x6040;
	[sflag:s9] =	ssyncadd.s32 $0xFFFFA000  }
0x46: {  	s16 =	simm.s32 $0x0;
	s17 =	simm.s32 $0x0;
	_ =	strace $0x80000049  }
.LBB2_2:
0x47: {  	[tilespmem:$0xE200] =	vst v24  }
0x48: {  	[tilespmem:$0xE280] =	vst v24  }
0x49: {  	[tilespmem:$0xE210] =	vst v24  }
0x4a: {  	[tilespmem:$0xE290] =	vst v24  }
0x4b: {  	[tilespmem:$0xE220] =	vst v24  }
0x4c: {  	[tilespmem:$0xE2A0] =	vst v24  }
0x4d: {  	[tilespmem:$0xE230] =	vst v24  }
0x4e: {  	[tilespmem:$0xE2B0] =	vst v24  }
0x4f: {  	v30 =	vld [tilespmem:s15+$0xFFFFFFC0];
	_ =	sdelay $0x7  }
0x50: {  	[tilespmem:v30+s10+$0x0] =	vst.idx.add.s32.msk $0xffff, v25  }
0x51: {  	v30 =	vld [tilespmem:s15+$0xFFFFFFD0];
	_ =	sdelay $0x7  }
0x52: {  	[tilespmem:v30+s10+$0x0] =	vst.idx.add.s32.msk $0xffff, v26  }
0x53: {  	v30 =	vld [tilespmem:s15+$0xFFFFFFE0];
	_ =	sdelay $0x7  }
0x54: {  	[tilespmem:v30+s10+$0x0] =	vst.idx.add.s32.msk $0xffff, v27  }
0x55: {  	v30 =	vld [tilespmem:s15+$0xFFFFFFF0];
	_ =	sdelay $0x7  }
0x56: {  	[tilespmem:v30+s10+$0x0] =	vst.idx.add.s32.msk $0xffff, v28  }
0x57: {  	v30 =	vld [tilespmem:s15+$0x0];
	_ =	sdelay $0x7  }
0x58: {  	[tilespmem:v30+s11+$0x0] =	vst.idx.add.s32.msk $0xffff, v25  }
0x59: {  	v30 =	vld [tilespmem:s15+$0x10];
	_ =	sdelay $0x7  }
0x5a: {  	[tilespmem:v30+s11+$0x0] =	vst.idx.add.s32.msk $0xffff, v26  }
0x5b: {  	v30 =	vld [tilespmem:s15+$0x20];
	_ =	sdelay $0x7  }
0x5c: {  	[tilespmem:v30+s11+$0x0] =	vst.idx.add.s32.msk $0xffff, v27  }
0x5d: {  	v30 =	vld [tilespmem:s15+$0x30];
	_ =	sdelay $0x7  }
0x5e: {  	[tilespmem:v30+s11+$0x0] =	vst.idx.add.s32.msk $0xffff, v28  }
0x5f: {  	v30 =	vld [tilespmem:$0xE200]  }
0x60: {  	v31 =	vld [tilespmem:$0xE280]  }
0x61: {  	v32 =	vld [tilespmem:$0xE290]  }
0x62: {  	v35 =	vld [tilespmem:$0xE210]  }
0x63: {  	v36 =	vld [tilespmem:$0xE220]  }
0x64: {  	v56 =	vld [tilespmem:$0xE2A0]  }
0x65: {  	v58 =	vld [tilespmem:$0xE2B0]  }
0x66: {  	v38 =	vld [tilespmem:$0xE230]  }
0x67: {  	v6 =	vld [tilespmem:$0xE010]  }
0x68: {  	v8 =	vld [tilespmem:$0xE020]  }
0x69: {  	v10 =	vld [tilespmem:$0xE030];
	v33 =	vshrl.u32 v30, $0x1;
	v34 =	vshrl.u32 v31, $0x1  }
0x6a: {  	v39 =	vld [tilespmem:$0xE040];
	v54 =	vshrl.u32 v32, $0x1;
	v55 =	vshrl.u32 v35, $0x1;
	v59 =	vshrl.u32 v36, $0x1  }
0x6b: {  	v41 =	vld [tilespmem:$0xE050];
	v61 =	vshrl.u32 v56, $0x1;
	v62 =	vshrl.u32 v58, $0x1;
	v0 =	vshrl.u32 v38, $0x1  }
0x6c: {  	v43 =	vld [tilespmem:$0xE060];
	v30 =	vor.u32 v30, v33;
	v31 =	vor.u32 v31, v34;
	v32 =	vor.u32 v32, v54  }
0x6d: {  	v45 =	vld [tilespmem:$0xE070];
	v1 =	vor.u32 v38, v0;
	v33 =	vshrl.u32 v30, $0x2;
	v34 =	vshrl.u32 v31, $0x2  }
0x6e: {  	v47 =	vld [tilespmem:$0xE080];
	v57 =	vshrl.u32 v32, $0x2;
	v30 =	vor.u32 v30, v33;
	v31 =	vor.u32 v31, v34  }
0x6f: {  	v49 =	vld [tilespmem:$0xE090];
	v32 =	vor.u32 v32, v57;
	v34 =	vor.u32 v36, v59;
	v33 =	vor.u32 v56, v61  }
0x70: {  	v51 =	vld [tilespmem:$0xE0A0];
	v30 =	vand.u32 $0x11111111, v30;
	v31 =	vshll.u32 v31, $0x1;
	v32 =	vshll.u32 v32, $0x1  }
0x71: {  	v53 =	vld [tilespmem:$0xE0B0];
	v36 =	vshrl.u32 v34, $0x2;
	v63 =	vshrl.u32 v33, $0x2;
	v31 =	vand.u32 $0x22222222, v31  }
0x72: {  	v13 =	vld [tilespmem:$0xE170];
	v32 =	vand.u32 $0x22222222, v32;
	v60 =	vor.u32 v34, v36;
	v34 =	vor.u32 v58, v62  }
0x73: {  	v57 =	vld [tilespmem:$0xE0D0];
	v33 =	vor.u32 v33, v63;
	v30 =	vor.u32 v30, v31;
	v31 =	vor.u32 v35, v55  }
0x74: {  	v59 =	vld [tilespmem:$0xE0E0];
	v2 =	vshrl.u32 v34, $0x2;
	v33 =	vshll.u32 v33, $0x1;
	v37 =	vshrl.u32 v31, $0x2  }
0x75: {  	v61 =	vld [tilespmem:$0xE0F0];
	v34 =	vor.u32 v34, v2;
	[tilespmem:$0xE180] =	vst v30;
	v30 =	vand.u32 $0x22222222, v33;
	v31 =	vor.u32 v31, v37  }
0x76: {  	s18 =	sshrl.u32 s17, $0x3;
	v63 =	vld [tilespmem:$0xE100];
	v37 =	vshrl.u32 v1, $0x2;
	v34 =	vshll.u32 v34, $0x1;
	v31 =	vand.u32 $0x11111111, v31  }
0x77: {  	s18 =	smul.u32 $0xC00, s18;
	v55 =	vld [tilespmem:$0xE0C0];
	v3 =	vor.u32 v1, v37;
	v31 =	vor.u32 v31, v32;
	v32 =	vand.u32 $0x11111111, v60  }
0x78: {  	v4 =	vand.u32 $0x22222222, v34;
	v1 =	vld [tilespmem:$0xE110];
	[tilespmem:$0xE190] =	vst v31;
	v30 =	vor.u32 v32, v30;
	v31 =	vand.u32 $0x11111111, v3  }
0x79: {  	s19 =	sand.u32 $0x380, s16;
	v3 =	vld [tilespmem:$0xE120];
	[tilespmem:$0xE1A0] =	vst v30;
	v30 =	vor.u32 v31, v4  }
0x7a: {  	s18 =	sor.u32 s19, s18;
	v31 =	vld [tilespmem:$0xE000];
	[tilespmem:$0xE1B0] =	vst v30  }
0x7b: {  	v30 =	vld [tilespmem:s18+$0x0]  }
0x7c: {  	v5 =	vld [tilespmem:s18+$0x10]  }
0x7d: {  	v7 =	vld [tilespmem:s18+$0x20]  }
0x7e: {  	v9 =	vld [tilespmem:s18+$0x30]  }
0x7f: {  	v33 =	vld.idx.msk [tilespmem:v6+s12+$0x0], $0xffff  }
0x80: {  	v35 =	vld.idx.msk [tilespmem:v8+s12+$0x0], $0xffff  }
0x81: {  	v37 =	vld.idx.msk [tilespmem:v10+s12+$0x0], $0xffff  }
0x82: {  	v11 =	vld [tilespmem:s18+$0x40]  }
0x83: {  	v40 =	vld [tilespmem:s18+$0x50]  }
0x84: {  	v42 =	vld [tilespmem:s18+$0x60]  }
0x85: {  	v44 =	vld [tilespmem:s18+$0x70]  }
0x86: {  	v39 =	vld.idx.msk [tilespmem:v39+s12+$0x0], $0xffff  }
0x87: {  	v41 =	vld.idx.msk [tilespmem:v41+s12+$0x0], $0xffff  }
0x88: {  	v43 =	vld.idx.msk [tilespmem:v43+s12+$0x0], $0xffff  }
0x89: {  	v45 =	vld.idx.msk [tilespmem:v45+s12+$0x0], $0xffff  }
0x8a: {  	v46 =	vld [tilespmem:s18+$0x400]  }
0x8b: {  	v48 =	vld [tilespmem:s18+$0x410]  }
0x8c: {  	v50 =	vld [tilespmem:s18+$0x420]  }
0x8d: {  	v52 =	vld [tilespmem:s18+$0x430]  }
0x8e: {  	v47 =	vld.idx.msk [tilespmem:v47+s12+$0x0], $0xffff  }
0x8f: {  	v49 =	vld.idx.msk [tilespmem:v49+s12+$0x0], $0xffff  }
0x90: {  	v51 =	vld.idx.msk [tilespmem:v51+s12+$0x0], $0xffff  }
0x91: {  	v53 =	vld.idx.msk [tilespmem:v53+s12+$0x0], $0xffff  }
0x92: {  	v54 =	vld [tilespmem:s18+$0x440]  }
0x93: {  	v56 =	vld [tilespmem:s18+$0x450]  }
0x94: {  	v58 =	vld [tilespmem:s18+$0x460]  }
0x95: {  	v60 =	vld [tilespmem:s18+$0x470]  }
0x96: {  	v55 =	vld.idx.msk [tilespmem:v55+s12+$0x0], $0xffff  }
0x97: {  	v57 =	vld.idx.msk [tilespmem:v57+s12+$0x0], $0xffff  }
0x98: {  	v59 =	vld.idx.msk [tilespmem:v59+s12+$0x0], $0xffff  }
0x99: {  	v61 =	vld.idx.msk [tilespmem:v61+s12+$0x0], $0xffff  }
0x9a: {  	v62 =	vld [tilespmem:s18+$0x800]  }
0x9b: {  	v0 =	vld [tilespmem:s18+$0x810]  }
0x9c: {  	v2 =	vld [tilespmem:s18+$0x820]  }
0x9d: {  	v4 =	vld [tilespmem:s18+$0x830]  }
0x9e: {  	v63 =	vld.idx.msk [tilespmem:v63+s12+$0x0], $0xffff  }
0x9f: {  	v6 =	vld [tilespmem:s18+$0x840]  }
0xa0: {  	v8 =	vld [tilespmem:s18+$0x850]  }
0xa1: {  	v10 =	vld [tilespmem:s18+$0x860]  }
0xa2: {  	v12 =	vld [tilespmem:s18+$0x870]  }
0xa3: {  	v13 =	vld.idx.msk [tilespmem:v13+s12+$0x0], $0xffff  }
0xa4: {  	v1 =	vld.idx.msk [tilespmem:v1+s12+$0x0], $0xffff  }
0xa5: {  	v3 =	vld.idx.msk [tilespmem:v3+s12+$0x0], $0xffff  }
0xa6: {  	v31 =	vld.idx.msk [tilespmem:v31+s12+$0x0], $0xffff  }
0xa7: {  	v30 =	vld.idx.msk [tilespmem:v30+s12+$0x0], $0xffff  }
0xa8: {  	v32 =	vld.idx.msk [tilespmem:v5+s12+$0x0], $0xffff  }
0xa9: {  	v34 =	vld.idx.msk [tilespmem:v7+s12+$0x0], $0xffff  }
0xaa: {  	v36 =	vld.idx.msk [tilespmem:v9+s12+$0x0], $0xffff  }
0xab: {  	v38 =	vld.idx.msk [tilespmem:v11+s12+$0x0], $0xffff  }
0xac: {  	v40 =	vld.idx.msk [tilespmem:v40+s12+$0x0], $0xffff  }
0xad: {  	v42 =	vld.idx.msk [tilespmem:v42+s12+$0x0], $0xffff  }
0xae: {  	v44 =	vld.idx.msk [tilespmem:v44+s12+$0x0], $0xffff  }
0xaf: {  	v46 =	vld.idx.msk [tilespmem:v46+s12+$0x0], $0xffff  }
0xb0: {  	v48 =	vld.idx.msk [tilespmem:v48+s12+$0x0], $0xffff  }
0xb1: {  	v50 =	vld.idx.msk [tilespmem:v50+s12+$0x0], $0xffff  }
0xb2: {  	v52 =	vld.idx.msk [tilespmem:v52+s12+$0x0], $0xffff  }
0xb3: {  	v54 =	vld.idx.msk [tilespmem:v54+s12+$0x0], $0xffff  }
0xb4: {  	v56 =	vld.idx.msk [tilespmem:v56+s12+$0x0], $0xffff  }
0xb5: {  	v58 =	vld.idx.msk [tilespmem:v58+s12+$0x0], $0xffff  }
0xb6: {  	v60 =	vld.idx.msk [tilespmem:v60+s12+$0x0], $0xffff  }
0xb7: {  	v5 =	vld [tilespmem:$0xE130]  }
0xb8: {  	v62 =	vld.idx.msk [tilespmem:v62+s12+$0x0], $0xffff  }
0xb9: {  	v0 =	vld.idx.msk [tilespmem:v0+s12+$0x0], $0xffff  }
0xba: {  	v2 =	vld.idx.msk [tilespmem:v2+s12+$0x0], $0xffff  }
0xbb: {  	v4 =	vld.idx.msk [tilespmem:v4+s12+$0x0], $0xffff  }
0xbc: {  	v7 =	vld [tilespmem:$0xE140]  }
0xbd: {  	v9 =	vld [tilespmem:$0xE150]  }
0xbe: {  	v11 =	vld [tilespmem:$0xE160]  }
0xbf: {  	v6 =	vld.idx.msk [tilespmem:v6+s12+$0x0], $0xffff  }
0xc0: {  	v8 =	vld.idx.msk [tilespmem:v8+s12+$0x0], $0xffff  }
0xc1: {  	v10 =	vld.idx.msk [tilespmem:v10+s12+$0x0], $0xffff  }
0xc2: {  	v12 =	vld.idx.msk [tilespmem:v12+s12+$0x0], $0xffff  }
0xc3: {  	v30 =	vand.u32 v30, v31;
	v31 =	vand.u32 v34, v35;
	v5 =	vld.idx.msk [tilespmem:v5+s12+$0x0], $0xffff  }
0xc4: {  	vm0 =	veq.s32 v30, $0x0;
	v30 =	vand.u32 v32, v33;
	vm6 =	veq.s32 v31, $0x0;
	v7 =	vld.idx.msk [tilespmem:v7+s12+$0x0], $0xffff  }
0xc5: {  	v31 =	vand.u32 v36, v37;
	v32 =	vsel vm0, $0x0, v29;
	vm5 =	veq.s32 v30, $0x0;
	v9 =	vld.idx.msk [tilespmem:v9+s12+$0x0], $0xffff  }
0xc6: {  	vm7 =	veq.s32 v31, $0x0;
	v11 =	vld.idx.msk [tilespmem:v11+s12+$0x0], $0xffff;
	v30 =	vsel vm5, $0x0, v29;
	[tilespmem:s18+$0x8000] =	vst v32  }
0xc7: {  	v39 =	vand.u32 v38, v39;
	v41 =	vand.u32 v40, v41;
	v31 =	vsel vm7, $0x0, v29;
	[tilespmem:s18+$0x8010] =	vst v30  }
0xc8: {  	vm8 =	veq.s32 v39, $0x0;
	vm9 =	veq.s32 v41, $0x0;
	v30 =	vsel vm6, $0x0, v29;
	[tilespmem:s18+$0x8030] =	vst v31  }
0xc9: {  	v0 =	vand.u32 v0, v1;
	v32 =	vsel vm9, $0x0, v29;
	v31 =	vsel vm8, $0x0, v29;
	[tilespmem:s18+$0x8020] =	vst v30  }
0xca: {  	vm9 =	veq.s32 v0, $0x0;
	v30 =	vand.u32 v42, v43;
	[tilespmem:s18+$0x8040] =	vst v31;
	v31 =	vand.u32 v46, v47  }
0xcb: {  	vm10 =	veq.s32 v30, $0x0;
	v30 =	vand.u32 v44, v45;
	vm12 =	veq.s32 v31, $0x0  }
0xcc: {  	[tilespmem:s18+$0x8050] =	vst v32;
	v31 =	vand.u32 v48, v49;
	v48 =	vand.u32 v52, v53;
	v53 =	vsel vm9, $0x0, v29  }
0xcd: {  	v46 =	vsel vm10, $0x0, v29;
	vm11 =	veq.s32 v30, $0x0;
	[tilespmem:s18+$0x8810] =	vst v53  }
0xce: {  	vm13 =	veq.s32 v31, $0x0;
	v30 =	vsel vm11, $0x0, v29;
	[tilespmem:s18+$0x8060] =	vst v46  }
0xcf: {  	vm15 =	veq.s32 v48, $0x0;
	v31 =	vsel vm13, $0x0, v29;
	[tilespmem:s18+$0x8070] =	vst v30  }
0xd0: {  	v47 =	vand.u32 v50, v51;
	v32 =	vsel vm15, $0x0, v29;
	[tilespmem:s18+$0x8410] =	vst v31  }
0xd1: {  	vm14 =	veq.s32 v47, $0x0;
	v52 =	vand.u32 v2, v3;
	v30 =	vsel vm12, $0x0, v29;
	[tilespmem:s18+$0x8430] =	vst v32  }
0xd2: {  	vm10 =	veq.s32 v52, $0x0;
	v31 =	vsel vm14, $0x0, v29;
	[tilespmem:s18+$0x8400] =	vst v30;
	v30 =	vand.u32 v54, v55  }
0xd3: {  	[tilespmem:s18+$0x8420] =	vst v31;
	v54 =	vand.u32 v4, v5;
	v55 =	vsel vm10, $0x0, v29;
	vm4 =	veq.s32 v30, $0x0  }
0xd4: {  	v30 =	vand.u32 v56, v57;
	vm11 =	veq.s32 v54, $0x0;
	[tilespmem:s18+$0x8820] =	vst v55;
	v31 =	vsel vm4, $0x0, v29  }
0xd5: {  	v56 =	vand.u32 v6, v7;
	vm5 =	veq.s32 v30, $0x0;
	v57 =	vsel vm11, $0x0, v29;
	[tilespmem:s18+$0x8440] =	vst v31  }
0xd6: {  	v30 =	vand.u32 v58, v59;
	vm12 =	veq.s32 v56, $0x0;
	v49 =	vsel vm5, $0x0, v29;
	[tilespmem:s18+$0x8830] =	vst v57  }
0xd7: {  	v58 =	vand.u32 v8, v9;
	vm6 =	veq.s32 v30, $0x0;
	v59 =	vsel vm12, $0x0, v29;
	[tilespmem:s18+$0x8450] =	vst v49  }
0xd8: {  	v30 =	vand.u32 v60, v61;
	vm13 =	veq.s32 v58, $0x0;
	v31 =	vsel vm6, $0x0, v29;
	[tilespmem:s18+$0x8840] =	vst v59  }
0xd9: {  	p0 =	sne.s32 s17, $0x3F;
	v60 =	vand.u32 v10, v11;
	vm7 =	veq.s32 v30, $0x0;
	v61 =	vsel vm13, $0x0, v29;
	[tilespmem:s18+$0x8460] =	vst v31  }
.Ltmp0:
0xda: {  	v30 =	vand.u32 v62, v63;
	vm14 =	veq.s32 v60, $0x0;
	v50 =	vsel vm7, $0x0, v29;
	[tilespmem:s18+$0x8850] =	vst v61;
	(pc) =	sbr.rel @p0 .LBB2_2-.Ltmp0, $4  }
0xdb: {  	v62 =	vand.u32 v12, v13;
	vm8 =	veq.s32 v30, $0x0;
	v63 =	vsel vm14, $0x0, v29;
	[tilespmem:s18+$0x8470] =	vst v50  }
0xdc: {  	vm15 =	veq.s32 v62, $0x0;
	v51 =	vsel vm8, $0x0, v29;
	[tilespmem:s18+$0x8860] =	vst v63  }
0xdd: {  	v0 =	vsel vm15, $0x0, v29;
	[tilespmem:s18+$0x8800] =	vst v51  }
0xde: {  	s16 =	sadd.s32 $0x80, s16;
	s17 =	sadd.s32 $0x1, s17;
	s15 =	sadd.s32 $0x80, s15;
	[tilespmem:s18+$0x8870] =	vst v0  }
0xdf: {  	_ =	strace $0x90000049;
	s14 =	sadd.s32 $0x1, s14  }
0xe0: {  	_ =	strace $0x8000004A;
	p0 =	sne.s32 s14, s6  }
0xe1: {  	[hbm4b:s5+s2] =	stream.linear.scatter [tilespmem:s13], [sflag:$0x2], $0x6000, $0x200038;
	[tilespmem:$0xE300] =	vst v63  }
.Ltmp1:
0xe2: {  	_ = 	snop;
	(pc) =	sbr.rel @p0 .LBB2_1-.Ltmp1, $4  }
0xe3: {  	_ =	swait.ge [sflag:s8], $0x6000  }
0xe4: {  	[sflag:s8] =	ssyncset.done $0x0  }
0xe5: {  	[sflag:s8] =	ssyncadd.s32 $0xFFFFA000  }
0xe6: {  	_ =	strace $0x9000004A  }
0xe7: {  	_ =	sfence.sel $0x180000  }
0xe8: {  	[bflag:$0x0] =	sbarrier.arrive $0xFFFF  }
0xe9: {  	p0 =	sne.s32 s0, $0x0;
	_ =	strace $0x90000047  }
0xea: {  	s0 =	sadd.s32 @!p0 $0x100000, s1;
	[bflag:$0x2] =	sbarrier.arrive $0xFFFF  }
0xeb: {  	[sflag:s0] =	ssyncadd.tile.s32 @!p0 $0x1;
	_ =	shalt  }
.Lfunc_end2:
_tile_overlayer_lowered:
.L_overlay_start_2:
0xec: {  	(tag) =	ssettag $0x2  }
0xed: {  	s0 =	rddreg [dreg:$0x0];
	s2 =	stileid.u32  }
0xee: {  	s1 =	rddreg [dreg:$0x1];
	p0 =	sne.s32 s2, $0x0  }
0xef: {  	s3 =	rddreg [dreg:$0x2];
	[bflag:$0x3] =	sbarrier.arrive $0xFFFF;
	s2 =	simm.s32 @!p0 $0x1C02  }
0xf0: {  	[timem:s3], [sflag:s2] =	dma.local @!p0 [hbm:s0], s1  }
0xf1: {  	s0 =	simm.s32 @!p0 $0x2  }
0xf2: {  	_ =	swait.ge @!p0 [sflag:s0], s1  }
0xf3: {  	s1 =	ssub.s32 @!p0 $0x0, s1;
	[sflag:s0] =	ssyncset.done @!p0 $0x0  }
0xf4: {  	[sflag:s0] =	ssyncadd.s32 @!p0 s1  }
0xf5: {  	[bflag:$0x3] =	sbarrier.arrive $0xFFFF  }
0xf6: {  	_ =	shalt  }

</sc_bundles>
